<compile_context>
chip_gen: v7x
topology: tpu7x:2x2x1
jax: 0.10.2.dev20260603
libtpu: 0.0.44.dev20260713+nightly
codegen_flags: <defaults>
</compile_context>

<pallas_src>
import functools

import jax
import jax.numpy as jnp
from jax import lax
from jax.experimental import pallas as pl
from jax.experimental.pallas import tpu as pltpu
from jax.experimental.pallas import tpu_sc as plsc

_NC = 2
_NS = 16
_NW = _NC * _NS

_NBUF = 5


@jax.jit
def _sc_gather(data, idx_t):
    n_j, b = idx_t.shape
    d = data.shape[1]
    bw = b // _NW
    assert n_j % _NBUF == 0 and n_j >= 2 * _NBUF
    mesh = plsc.VectorSubcoreMesh(
        core_axis_name="c", subcore_axis_name="s",
        num_cores=_NC, num_subcores=_NS,
    )

    @functools.partial(
        pl.kernel,
        out_type=jax.ShapeDtypeStruct((n_j, b, d), data.dtype),
        mesh=mesh,
        scratch_types=[
            pltpu.VMEM((n_j, bw), jnp.int32),
            pltpu.VMEM((_NBUF, bw, d), data.dtype),
            pltpu.SemaphoreType.DMA,
            pltpu.SemaphoreType.DMA((_NBUF,)),
            pltpu.SemaphoreType.DMA((_NBUF,)),
        ],
        compiler_params=pltpu.CompilerParams(use_tc_tiling_on_sc=False),
    )
    def k(table_hbm, idx_hbm, out_hbm, idx_v, rows_v, isem, gsem, wsem):
        wid = lax.axis_index("s") * _NC + lax.axis_index("c")
        b0 = wid * bw

        pltpu.async_copy(
            idx_hbm.at[:, pl.ds(b0, bw)], idx_v, isem).wait()

        def start_gather(g, slot):
            return pltpu.async_copy(
                table_hbm.at[idx_v.at[g]], rows_v.at[slot], gsem.at[slot])

        def start_write(g, slot):
            return pltpu.async_copy(
                rows_v.at[slot], out_hbm.at[g, pl.ds(b0, bw)],
                wsem.at[slot])

        def wait_gather(slot):
            pltpu.make_async_copy(
                table_hbm.at[idx_v.at[0]], rows_v.at[slot],
                gsem.at[slot]).wait()

        def wait_write(slot):
            pltpu.make_async_copy(
                rows_v.at[slot], out_hbm.at[0, pl.ds(b0, bw)],
                wsem.at[slot]).wait()

        start_gather(0, 0)
        for g in range(1, _NBUF):
            start_gather(g, g)
            wait_gather(g - 1)
            start_write(g - 1, g - 1)

        def outer(t, carry):
            g0 = _NBUF + t * _NBUF
            for s in range(_NBUF):
                g = g0 + s
                wait_write(s)
                start_gather(g, s)
                sp = (s - 1) % _NBUF
                wait_gather(sp)
                start_write(g - 1, sp)
            return carry

        lax.fori_loop(0, n_j // _NBUF - 1, outer, 0)

        last_s = (n_j - 1) % _NBUF
        wait_gather(last_s)
        start_write(n_j - 1, last_s)
        for s in range(_NBUF):
            wait_write(s)

    return k(data, idx_t)


def kernel(data, indices, axis):
    del axis
    d = data.shape[1]
    table = jnp.pad(data, ((0, 0), (0, 128 - d))).reshape(-1, d)
    out = _sc_gather(table, indices.T * (128 // d))
    return out.transpose(1, 0, 2)

# --- scband reference (transcript-rebuilt; emitter-appended) ---
"""Pipeline reference for scband-custom-gather-29403346108620 (READ-ONLY COPY).

The authoritative reference and input builder live on the scoring server;
editing this copy changes nothing except your own understanding.
"""

import jax, jax.numpy as jnp
import numpy as np


def setup_inputs(seed: int = 0) -> dict:
    key = jax.random.key(seed)
    k1, k2 = jax.random.split(key)
    data = jax.random.normal(k1, (1000000, 32), dtype=jnp.float32)
    indices = jax.random.randint(k2, (16384, 50), 0, 1000000, dtype=jnp.int32)
    return {"data": data, "indices": indices, "axis": 0}


def reference(data, indices, axis=0):
    # ONNX Gather semantics: negative indices wrap around dimension `axis`
    dim = data.shape[0] + axis * 0
    idx = jnp.where(indices < 0, indices + dim, indices)
    target_shape = indices.shape + data.shape[1:]
    out = jnp.take(data, idx.reshape(-1), axis=0)
    return out.reshape(target_shape)

if __name__ == "__main__":
    import jax
    _d = setup_inputs()
    print(jax.jit(kernel)(*tuple(_d.values())))

</pallas_src>

<mosaic_0001>
#map = affine_map<(d0, d1) -> (0, 0)>
#map1 = affine_map<(d0, d1) -> (0, 0, 0)>
module attributes {stable_mosaic.version = 14 : i64} {
  func.func @k(%arg0: i32, %arg1: i32, %arg2: memref<4000000x32xf32, #tpu.memory_space<hbm>>, %arg3: memref<50x16384xi32, #tpu.memory_space<hbm>>, %arg4: memref<50x16384x32xf32, #tpu.memory_space<hbm>>, %arg5: memref<50x512xi32, #tpu.memory_space<vmem>>, %arg6: memref<5x512x32xf32, #tpu.memory_space<vmem>>, %arg7: memref<!tpu.dma_semaphore, #tpu.memory_space<semaphore_mem>>, %arg8: memref<5x!tpu.dma_semaphore, #tpu.memory_space<semaphore_mem>>, %arg9: memref<5x!tpu.dma_semaphore, #tpu.memory_space<semaphore_mem>>) attributes {dimension_semantics = [#tpu.dimension_semantics<core_parallel>, #tpu.dimension_semantics<subcore_parallel>], iteration_bounds = array<i64: 2, 16>, scalar_prefetch = 0 : i64, scratch_operands = 5 : i64, tpu.core_type = #tpu.core_type<sc_vector_subcore>, window_params = [{transform_indices = #map}, {transform_indices = #map}, {transform_indices = #map1}]} {
    %mul3A = arith.constant 2 : i32
    %mul3A_0 = arith.muli %arg1, %mul3A : i32
    %add3A = arith.addi %mul3A_0, %arg0 : i32
    %mul3A_1 = arith.constant 512 : i32
    %mul3A_2 = arith.muli %add3A, %mul3A_1 : i32
    %dma_start3A = arith.constant 0 : i32
    %dma_start3A_3 = tpu.memref_slice %arg3[%dma_start3A, %mul3A_2] : memref<50x16384xi32, #tpu.memory_space<hbm>> -> memref<50x512xi32, #tpu.memory_space<hbm>>
    %dma_start3A_4 = arith.constant 0 : i32
    %dma_start3A_5 = tpu.memref_slice %arg3[%dma_start3A_4, %mul3A_2] : memref<50x16384xi32, #tpu.memory_space<hbm>> -> memref<50x512xi32, #tpu.memory_space<hbm>>
    tpu.enqueue_dma source(%dma_start3A_5 : memref<50x512xi32, #tpu.memory_space<hbm>>) target(%arg5 : memref<50x512xi32, #tpu.memory_space<vmem>>) target_semaphore(%arg7 : memref<!tpu.dma_semaphore, #tpu.memory_space<semaphore_mem>>)
    %dma_wait3A = arith.constant 0 : i32
    %dma_wait3A_6 = tpu.memref_slice %arg3[%dma_wait3A, %mul3A_2] : memref<50x16384xi32, #tpu.memory_space<hbm>> -> memref<50x512xi32, #tpu.memory_space<hbm>>
    %dma_wait3A_7 = arith.constant 0 : i32
    %dma_wait3A_8 = tpu.memref_slice %arg3[%dma_wait3A_7, %mul3A_2] : memref<50x16384xi32, #tpu.memory_space<hbm>> -> memref<50x512xi32, #tpu.memory_space<hbm>>
    tpu.wait_dma2 semaphore(%arg7 : memref<!tpu.dma_semaphore, #tpu.memory_space<semaphore_mem>>) src(%dma_wait3A_8 : memref<50x512xi32, #tpu.memory_space<hbm>>) dst(%arg5 : memref<50x512xi32, #tpu.memory_space<vmem>>)
    %dma_start3A_9 = arith.constant 0 : i32
    %dma_start3A_10 = arith.constant 0 : i32
    %dma_start3A_11 = arith.constant 0 : i32
    %dma_start3A_12 = arith.constant 0 : i32
    %dma_start3A_13 = arith.constant 0 : i32
    %dma_start3A_14 = tpu.memref_slice %arg6[%dma_start3A_10, %dma_start3A_12, %dma_start3A_13] : memref<5x512x32xf32, #tpu.memory_space<vmem>> -> memref<1x512x32xf32, #tpu.memory_space<vmem>>
    %dma_start3A_15 = tpu.memref_squeeze %dma_start3A_14 : memref<1x512x32xf32, #tpu.memory_space<vmem>> -> memref<512x32xf32, #tpu.memory_space<vmem>>
    %dma_start3A_16 = arith.constant 0 : i32
    %dma_start3A_17 = tpu.memref_slice %arg5[%dma_start3A_9, %dma_start3A_16] : memref<50x512xi32, #tpu.memory_space<vmem>> -> memref<1x512xi32, #tpu.memory_space<vmem>>
    %dma_start3A_18 = tpu.memref_squeeze %dma_start3A_17 : memref<1x512xi32, #tpu.memory_space<vmem>> -> memref<512xi32, #tpu.memory_space<vmem>>
    %dma_start3A_19 = arith.constant 0 : i32
    %dma_start3A_20 = arith.constant 0 : i32
    %dma_start3A_21 = tpu.memref_slice %arg2[%dma_start3A_19, %dma_start3A_20] : memref<4000000x32xf32, #tpu.memory_space<hbm>> -> memref<4000000x32xf32, #tpu.memory_space<hbm>>
    %dma_start3A_22 = tpu.memref_slice %arg8[%dma_start3A_11] : memref<5x!tpu.dma_semaphore, #tpu.memory_space<semaphore_mem>> -> memref<1x!tpu.dma_semaphore, #tpu.memory_space<semaphore_mem>>
    %dma_start3A_23 = tpu.memref_squeeze %dma_start3A_22 : memref<1x!tpu.dma_semaphore, #tpu.memory_space<semaphore_mem>> -> memref<!tpu.dma_semaphore, #tpu.memory_space<semaphore_mem>>
    tpu.enqueue_indirect_dma source(%dma_start3A_21 : memref<4000000x32xf32, #tpu.memory_space<hbm>>) target(%dma_start3A_15 : memref<512x32xf32, #tpu.memory_space<vmem>>) offsets(%dma_start3A_18 : memref<512xi32, #tpu.memory_space<vmem>>) semaphore(%dma_start3A_23 : memref<!tpu.dma_semaphore, #tpu.memory_space<semaphore_mem>>)
    %dma_start3A_24 = arith.constant 1 : i32
    %dma_start3A_25 = arith.constant 1 : i32
    %dma_start3A_26 = arith.constant 1 : i32
    %dma_start3A_27 = arith.constant 0 : i32
    %dma_start3A_28 = arith.constant 0 : i32
    %dma_start3A_29 = tpu.memref_slice %arg6[%dma_start3A_25, %dma_start3A_27, %dma_start3A_28] : memref<5x512x32xf32, #tpu.memory_space<vmem>> -> memref<1x512x32xf32, #tpu.memory_space<vmem>>
    %dma_start3A_30 = tpu.memref_squeeze %dma_start3A_29 : memref<1x512x32xf32, #tpu.memory_space<vmem>> -> memref<512x32xf32, #tpu.memory_space<vmem>>
    %dma_start3A_31 = arith.constant 0 : i32
    %dma_start3A_32 = tpu.memref_slice %arg5[%dma_start3A_24, %dma_start3A_31] : memref<50x512xi32, #tpu.memory_space<vmem>> -> memref<1x512xi32, #tpu.memory_space<vmem>>
    %dma_start3A_33 = tpu.memref_squeeze %dma_start3A_32 : memref<1x512xi32, #tpu.memory_space<vmem>> -> memref<512xi32, #tpu.memory_space<vmem>>
    %dma_start3A_34 = arith.constant 0 : i32
    %dma_start3A_35 = arith.constant 0 : i32
    %dma_start3A_36 = tpu.memref_slice %arg2[%dma_start3A_34, %dma_start3A_35] : memref<4000000x32xf32, #tpu.memory_space<hbm>> -> memref<4000000x32xf32, #tpu.memory_space<hbm>>
    %dma_start3A_37 = tpu.memref_slice %arg8[%dma_start3A_26] : memref<5x!tpu.dma_semaphore, #tpu.memory_space<semaphore_mem>> -> memref<1x!tpu.dma_semaphore, #tpu.memory_space<semaphore_mem>>
    %dma_start3A_38 = tpu.memref_squeeze %dma_start3A_37 : memref<1x!tpu.dma_semaphore, #tpu.memory_space<semaphore_mem>> -> memref<!tpu.dma_semaphore, #tpu.memory_space<semaphore_mem>>
    tpu.enqueue_indirect_dma source(%dma_start3A_36 : memref<4000000x32xf32, #tpu.memory_space<hbm>>) target(%dma_start3A_30 : memref<512x32xf32, #tpu.memory_space<vmem>>) offsets(%dma_start3A_33 : memref<512xi32, #tpu.memory_space<vmem>>) semaphore(%dma_start3A_38 : memref<!tpu.dma_semaphore, #tpu.memory_space<semaphore_mem>>)
    %dma_wait3A_39 = arith.constant 0 : i32
    %dma_wait3A_40 = arith.constant 0 : i32
    %dma_wait3A_41 = arith.constant 0 : i32
    %dma_wait3A_42 = arith.constant 0 : i32
    %dma_wait3A_43 = arith.constant 0 : i32
    %dma_wait3A_44 = tpu.memref_slice %arg6[%dma_wait3A_40, %dma_wait3A_42, %dma_wait3A_43] : memref<5x512x32xf32, #tpu.memory_space<vmem>> -> memref<1x512x32xf32, #tpu.memory_space<vmem>>
    %dma_wait3A_45 = tpu.memref_squeeze %dma_wait3A_44 : memref<1x512x32xf32, #tpu.memory_space<vmem>> -> memref<512x32xf32, #tpu.memory_space<vmem>>
    %dma_wait3A_46 = arith.constant 0 : i32
    %dma_wait3A_47 = tpu.memref_slice %arg5[%dma_wait3A_39, %dma_wait3A_46] : memref<50x512xi32, #tpu.memory_space<vmem>> -> memref<1x512xi32, #tpu.memory_space<vmem>>
    %dma_wait3A_48 = tpu.memref_squeeze %dma_wait3A_47 : memref<1x512xi32, #tpu.memory_space<vmem>> -> memref<512xi32, #tpu.memory_space<vmem>>
    %dma_wait3A_49 = arith.constant 0 : i32
    %dma_wait3A_50 = arith.constant 0 : i32
    %dma_wait3A_51 = tpu.memref_slice %arg2[%dma_wait3A_49, %dma_wait3A_50] : memref<4000000x32xf32, #tpu.memory_space<hbm>> -> memref<4000000x32xf32, #tpu.memory_space<hbm>>
    %dma_wait3A_52 = tpu.memref_slice %arg8[%dma_wait3A_41] : memref<5x!tpu.dma_semaphore, #tpu.memory_space<semaphore_mem>> -> memref<1x!tpu.dma_semaphore, #tpu.memory_space<semaphore_mem>>
    %dma_wait3A_53 = tpu.memref_squeeze %dma_wait3A_52 : memref<1x!tpu.dma_semaphore, #tpu.memory_space<semaphore_mem>> -> memref<!tpu.dma_semaphore, #tpu.memory_space<semaphore_mem>>
    tpu.wait_indirect_dma semaphore(%dma_wait3A_53 : memref<!tpu.dma_semaphore, #tpu.memory_space<semaphore_mem>>) src(%dma_wait3A_51 : memref<4000000x32xf32, #tpu.memory_space<hbm>>) dst(%dma_wait3A_45 : memref<512x32xf32, #tpu.memory_space<vmem>>)
    %dma_start3A_54 = arith.constant 0 : i32
    %dma_start3A_55 = arith.constant 0 : i32
    %dma_start3A_56 = arith.constant 0 : i32
    %dma_start3A_57 = arith.constant 0 : i32
    %dma_start3A_58 = arith.constant 0 : i32
    %dma_start3A_59 = tpu.memref_slice %arg6[%dma_start3A_54, %dma_start3A_57, %dma_start3A_58] : memref<5x512x32xf32, #tpu.memory_space<vmem>> -> memref<1x512x32xf32, #tpu.memory_space<vmem>>
    %dma_start3A_60 = tpu.memref_squeeze %dma_start3A_59 : memref<1x512x32xf32, #tpu.memory_space<vmem>> -> memref<512x32xf32, #tpu.memory_space<vmem>>
    %dma_start3A_61 = arith.constant 0 : i32
    %dma_start3A_62 = tpu.memref_slice %arg4[%dma_start3A_55, %mul3A_2, %dma_start3A_61] : memref<50x16384x32xf32, #tpu.memory_space<hbm>> -> memref<1x512x32xf32, #tpu.memory_space<hbm>>
    %dma_start3A_63 = tpu.memref_squeeze %dma_start3A_62 : memref<1x512x32xf32, #tpu.memory_space<hbm>> -> memref<512x32xf32, #tpu.memory_space<hbm>>
    %dma_start3A_64 = tpu.memref_slice %arg9[%dma_start3A_56] : memref<5x!tpu.dma_semaphore, #tpu.memory_space<semaphore_mem>> -> memref<1x!tpu.dma_semaphore, #tpu.memory_space<semaphore_mem>>
    %dma_start3A_65 = tpu.memref_squeeze %dma_start3A_64 : memref<1x!tpu.dma_semaphore, #tpu.memory_space<semaphore_mem>> -> memref<!tpu.dma_semaphore, #tpu.memory_space<semaphore_mem>>
    %dma_start3A_66 = arith.constant 0 : i32
    %dma_start3A_67 = tpu.memref_slice %arg4[%dma_start3A_55, %mul3A_2, %dma_start3A_66] : memref<50x16384x32xf32, #tpu.memory_space<hbm>> -> memref<1x512x32xf32, #tpu.memory_space<hbm>>
    %dma_start3A_68 = tpu.memref_squeeze %dma_start3A_67 : memref<1x512x32xf32, #tpu.memory_space<hbm>> -> memref<512x32xf32, #tpu.memory_space<hbm>>
    %dma_start3A_69 = arith.constant 0 : i32
    %dma_start3A_70 = arith.constant 0 : i32
    %dma_start3A_71 = tpu.memref_slice %arg6[%dma_start3A_54, %dma_start3A_69, %dma_start3A_70] : memref<5x512x32xf32, #tpu.memory_space<vmem>> -> memref<1x512x32xf32, #tpu.memory_space<vmem>>
    %dma_start3A_72 = tpu.memref_squeeze %dma_start3A_71 : memref<1x512x32xf32, #tpu.memory_space<vmem>> -> memref<512x32xf32, #tpu.memory_space<vmem>>
    tpu.enqueue_dma source(%dma_start3A_72 : memref<512x32xf32, #tpu.memory_space<vmem>>) target(%dma_start3A_68 : memref<512x32xf32, #tpu.memory_space<hbm>>) target_semaphore(%dma_start3A_65 : memref<!tpu.dma_semaphore, #tpu.memory_space<semaphore_mem>>)
    %dma_start3A_73 = arith.constant 2 : i32
    %dma_start3A_74 = arith.constant 2 : i32
    %dma_start3A_75 = arith.constant 2 : i32
    %dma_start3A_76 = arith.constant 0 : i32
    %dma_start3A_77 = arith.constant 0 : i32
    %dma_start3A_78 = tpu.memref_slice %arg6[%dma_start3A_74, %dma_start3A_76, %dma_start3A_77] : memref<5x512x32xf32, #tpu.memory_space<vmem>> -> memref<1x512x32xf32, #tpu.memory_space<vmem>>
    %dma_start3A_79 = tpu.memref_squeeze %dma_start3A_78 : memref<1x512x32xf32, #tpu.memory_space<vmem>> -> memref<512x32xf32, #tpu.memory_space<vmem>>
    %dma_start3A_80 = arith.constant 0 : i32
    %dma_start3A_81 = tpu.memref_slice %arg5[%dma_start3A_73, %dma_start3A_80] : memref<50x512xi32, #tpu.memory_space<vmem>> -> memref<1x512xi32, #tpu.memory_space<vmem>>
    %dma_start3A_82 = tpu.memref_squeeze %dma_start3A_81 : memref<1x512xi32, #tpu.memory_space<vmem>> -> memref<512xi32, #tpu.memory_space<vmem>>
    %dma_start3A_83 = arith.constant 0 : i32
    %dma_start3A_84 = arith.constant 0 : i32
    %dma_start3A_85 = tpu.memref_slice %arg2[%dma_start3A_83, %dma_start3A_84] : memref<4000000x32xf32, #tpu.memory_space<hbm>> -> memref<4000000x32xf32, #tpu.memory_space<hbm>>
    %dma_start3A_86 = tpu.memref_slice %arg8[%dma_start3A_75] : memref<5x!tpu.dma_semaphore, #tpu.memory_space<semaphore_mem>> -> memref<1x!tpu.dma_semaphore, #tpu.memory_space<semaphore_mem>>
    %dma_start3A_87 = tpu.memref_squeeze %dma_start3A_86 : memref<1x!tpu.dma_semaphore, #tpu.memory_space<semaphore_mem>> -> memref<!tpu.dma_semaphore, #tpu.memory_space<semaphore_mem>>
    tpu.enqueue_indirect_dma source(%dma_start3A_85 : memref<4000000x32xf32, #tpu.memory_space<hbm>>) target(%dma_start3A_79 : memref<512x32xf32, #tpu.memory_space<vmem>>) offsets(%dma_start3A_82 : memref<512xi32, #tpu.memory_space<vmem>>) semaphore(%dma_start3A_87 : memref<!tpu.dma_semaphore, #tpu.memory_space<semaphore_mem>>)
    %dma_wait3A_88 = arith.constant 0 : i32
    %dma_wait3A_89 = arith.constant 1 : i32
    %dma_wait3A_90 = arith.constant 1 : i32
    %dma_wait3A_91 = arith.constant 0 : i32
    %dma_wait3A_92 = arith.constant 0 : i32
    %dma_wait3A_93 = tpu.memref_slice %arg6[%dma_wait3A_89, %dma_wait3A_91, %dma_wait3A_92] : memref<5x512x32xf32, #tpu.memory_space<vmem>> -> memref<1x512x32xf32, #tpu.memory_space<vmem>>
    %dma_wait3A_94 = tpu.memref_squeeze %dma_wait3A_93 : memref<1x512x32xf32, #tpu.memory_space<vmem>> -> memref<512x32xf32, #tpu.memory_space<vmem>>
    %dma_wait3A_95 = arith.constant 0 : i32
    %dma_wait3A_96 = tpu.memref_slice %arg5[%dma_wait3A_88, %dma_wait3A_95] : memref<50x512xi32, #tpu.memory_space<vmem>> -> memref<1x512xi32, #tpu.memory_space<vmem>>
    %dma_wait3A_97 = tpu.memref_squeeze %dma_wait3A_96 : memref<1x512xi32, #tpu.memory_space<vmem>> -> memref<512xi32, #tpu.memory_space<vmem>>
    %dma_wait3A_98 = arith.constant 0 : i32
    %dma_wait3A_99 = arith.constant 0 : i32
    %dma_wait3A_100 = tpu.memref_slice %arg2[%dma_wait3A_98, %dma_wait3A_99] : memref<4000000x32xf32, #tpu.memory_space<hbm>> -> memref<4000000x32xf32, #tpu.memory_space<hbm>>
    %dma_wait3A_101 = tpu.memref_slice %arg8[%dma_wait3A_90] : memref<5x!tpu.dma_semaphore, #tpu.memory_space<semaphore_mem>> -> memref<1x!tpu.dma_semaphore, #tpu.memory_space<semaphore_mem>>
    %dma_wait3A_102 = tpu.memref_squeeze %dma_wait3A_101 : memref<1x!tpu.dma_semaphore, #tpu.memory_space<semaphore_mem>> -> memref<!tpu.dma_semaphore, #tpu.memory_space<semaphore_mem>>
    tpu.wait_indirect_dma semaphore(%dma_wait3A_102 : memref<!tpu.dma_semaphore, #tpu.memory_space<semaphore_mem>>) src(%dma_wait3A_100 : memref<4000000x32xf32, #tpu.memory_space<hbm>>) dst(%dma_wait3A_94 : memref<512x32xf32, #tpu.memory_space<vmem>>)
    %dma_start3A_103 = arith.constant 1 : i32
    %dma_start3A_104 = arith.constant 1 : i32
    %dma_start3A_105 = arith.constant 1 : i32
    %dma_start3A_106 = arith.constant 0 : i32
    %dma_start3A_107 = arith.constant 0 : i32
    %dma_start3A_108 = tpu.memref_slice %arg6[%dma_start3A_103, %dma_start3A_106, %dma_start3A_107] : memref<5x512x32xf32, #tpu.memory_space<vmem>> -> memref<1x512x32xf32, #tpu.memory_space<vmem>>
    %dma_start3A_109 = tpu.memref_squeeze %dma_start3A_108 : memref<1x512x32xf32, #tpu.memory_space<vmem>> -> memref<512x32xf32, #tpu.memory_space<vmem>>
    %dma_start3A_110 = arith.constant 0 : i32
    %dma_start3A_111 = tpu.memref_slice %arg4[%dma_start3A_104, %mul3A_2, %dma_start3A_110] : memref<50x16384x32xf32, #tpu.memory_space<hbm>> -> memref<1x512x32xf32, #tpu.memory_space<hbm>>
    %dma_start3A_112 = tpu.memref_squeeze %dma_start3A_111 : memref<1x512x32xf32, #tpu.memory_space<hbm>> -> memref<512x32xf32, #tpu.memory_space<hbm>>
    %dma_start3A_113 = tpu.memref_slice %arg9[%dma_start3A_105] : memref<5x!tpu.dma_semaphore, #tpu.memory_space<semaphore_mem>> -> memref<1x!tpu.dma_semaphore, #tpu.memory_space<semaphore_mem>>
    %dma_start3A_114 = tpu.memref_squeeze %dma_start3A_113 : memref<1x!tpu.dma_semaphore, #tpu.memory_space<semaphore_mem>> -> memref<!tpu.dma_semaphore, #tpu.memory_space<semaphore_mem>>
    %dma_start3A_115 = arith.constant 0 : i32
    %dma_start3A_116 = tpu.memref_slice %arg4[%dma_start3A_104, %mul3A_2, %dma_start3A_115] : memref<50x16384x32xf32, #tpu.memory_space<hbm>> -> memref<1x512x32xf32, #tpu.memory_space<hbm>>
    %dma_start3A_117 = tpu.memref_squeeze %dma_start3A_116 : memref<1x512x32xf32, #tpu.memory_space<hbm>> -> memref<512x32xf32, #tpu.memory_space<hbm>>
    %dma_start3A_118 = arith.constant 0 : i32
    %dma_start3A_119 = arith.constant 0 : i32
    %dma_start3A_120 = tpu.memref_slice %arg6[%dma_start3A_103, %dma_start3A_118, %dma_start3A_119] : memref<5x512x32xf32, #tpu.memory_space<vmem>> -> memref<1x512x32xf32, #tpu.memory_space<vmem>>
    %dma_start3A_121 = tpu.memref_squeeze %dma_start3A_120 : memref<1x512x32xf32, #tpu.memory_space<vmem>> -> memref<512x32xf32, #tpu.memory_space<vmem>>
    tpu.enqueue_dma source(%dma_start3A_121 : memref<512x32xf32, #tpu.memory_space<vmem>>) target(%dma_start3A_117 : memref<512x32xf32, #tpu.memory_space<hbm>>) target_semaphore(%dma_start3A_114 : memref<!tpu.dma_semaphore, #tpu.memory_space<semaphore_mem>>)
    %dma_start3A_122 = arith.constant 3 : i32
    %dma_start3A_123 = arith.constant 3 : i32
    %dma_start3A_124 = arith.constant 3 : i32
    %dma_start3A_125 = arith.constant 0 : i32
    %dma_start3A_126 = arith.constant 0 : i32
    %dma_start3A_127 = tpu.memref_slice %arg6[%dma_start3A_123, %dma_start3A_125, %dma_start3A_126] : memref<5x512x32xf32, #tpu.memory_space<vmem>> -> memref<1x512x32xf32, #tpu.memory_space<vmem>>
    %dma_start3A_128 = tpu.memref_squeeze %dma_start3A_127 : memref<1x512x32xf32, #tpu.memory_space<vmem>> -> memref<512x32xf32, #tpu.memory_space<vmem>>
    %dma_start3A_129 = arith.constant 0 : i32
    %dma_start3A_130 = tpu.memref_slice %arg5[%dma_start3A_122, %dma_start3A_129] : memref<50x512xi32, #tpu.memory_space<vmem>> -> memref<1x512xi32, #tpu.memory_space<vmem>>
    %dma_start3A_131 = tpu.memref_squeeze %dma_start3A_130 : memref<1x512xi32, #tpu.memory_space<vmem>> -> memref<512xi32, #tpu.memory_space<vmem>>
    %dma_start3A_132 = arith.constant 0 : i32
    %dma_start3A_133 = arith.constant 0 : i32
    %dma_start3A_134 = tpu.memref_slice %arg2[%dma_start3A_132, %dma_start3A_133] : memref<4000000x32xf32, #tpu.memory_space<hbm>> -> memref<4000000x32xf32, #tpu.memory_space<hbm>>
    %dma_start3A_135 = tpu.memref_slice %arg8[%dma_start3A_124] : memref<5x!tpu.dma_semaphore, #tpu.memory_space<semaphore_mem>> -> memref<1x!tpu.dma_semaphore, #tpu.memory_space<semaphore_mem>>
    %dma_start3A_136 = tpu.memref_squeeze %dma_start3A_135 : memref<1x!tpu.dma_semaphore, #tpu.memory_space<semaphore_mem>> -> memref<!tpu.dma_semaphore, #tpu.memory_space<semaphore_mem>>
    tpu.enqueue_indirect_dma source(%dma_start3A_134 : memref<4000000x32xf32, #tpu.memory_space<hbm>>) target(%dma_start3A_128 : memref<512x32xf32, #tpu.memory_space<vmem>>) offsets(%dma_start3A_131 : memref<512xi32, #tpu.memory_space<vmem>>) semaphore(%dma_start3A_136 : memref<!tpu.dma_semaphore, #tpu.memory_space<semaphore_mem>>)
    %dma_wait3A_137 = arith.constant 0 : i32
    %dma_wait3A_138 = arith.constant 2 : i32
    %dma_wait3A_139 = arith.constant 2 : i32
    %dma_wait3A_140 = arith.constant 0 : i32
    %dma_wait3A_141 = arith.constant 0 : i32
    %dma_wait3A_142 = tpu.memref_slice %arg6[%dma_wait3A_138, %dma_wait3A_140, %dma_wait3A_141] : memref<5x512x32xf32, #tpu.memory_space<vmem>> -> memref<1x512x32xf32, #tpu.memory_space<vmem>>
    %dma_wait3A_143 = tpu.memref_squeeze %dma_wait3A_142 : memref<1x512x32xf32, #tpu.memory_space<vmem>> -> memref<512x32xf32, #tpu.memory_space<vmem>>
    %dma_wait3A_144 = arith.constant 0 : i32
    %dma_wait3A_145 = tpu.memref_slice %arg5[%dma_wait3A_137, %dma_wait3A_144] : memref<50x512xi32, #tpu.memory_space<vmem>> -> memref<1x512xi32, #tpu.memory_space<vmem>>
    %dma_wait3A_146 = tpu.memref_squeeze %dma_wait3A_145 : memref<1x512xi32, #tpu.memory_space<vmem>> -> memref<512xi32, #tpu.memory_space<vmem>>
    %dma_wait3A_147 = arith.constant 0 : i32
    %dma_wait3A_148 = arith.constant 0 : i32
    %dma_wait3A_149 = tpu.memref_slice %arg2[%dma_wait3A_147, %dma_wait3A_148] : memref<4000000x32xf32, #tpu.memory_space<hbm>> -> memref<4000000x32xf32, #tpu.memory_space<hbm>>
    %dma_wait3A_150 = tpu.memref_slice %arg8[%dma_wait3A_139] : memref<5x!tpu.dma_semaphore, #tpu.memory_space<semaphore_mem>> -> memref<1x!tpu.dma_semaphore, #tpu.memory_space<semaphore_mem>>
    %dma_wait3A_151 = tpu.memref_squeeze %dma_wait3A_150 : memref<1x!tpu.dma_semaphore, #tpu.memory_space<semaphore_mem>> -> memref<!tpu.dma_semaphore, #tpu.memory_space<semaphore_mem>>
    tpu.wait_indirect_dma semaphore(%dma_wait3A_151 : memref<!tpu.dma_semaphore, #tpu.memory_space<semaphore_mem>>) src(%dma_wait3A_149 : memref<4000000x32xf32, #tpu.memory_space<hbm>>) dst(%dma_wait3A_143 : memref<512x32xf32, #tpu.memory_space<vmem>>)
    %dma_start3A_152 = arith.constant 2 : i32
    %dma_start3A_153 = arith.constant 2 : i32
    %dma_start3A_154 = arith.constant 2 : i32
    %dma_start3A_155 = arith.constant 0 : i32
    %dma_start3A_156 = arith.constant 0 : i32
    %dma_start3A_157 = tpu.memref_slice %arg6[%dma_start3A_152, %dma_start3A_155, %dma_start3A_156] : memref<5x512x32xf32, #tpu.memory_space<vmem>> -> memref<1x512x32xf32, #tpu.memory_space<vmem>>
    %dma_start3A_158 = tpu.memref_squeeze %dma_start3A_157 : memref<1x512x32xf32, #tpu.memory_space<vmem>> -> memref<512x32xf32, #tpu.memory_space<vmem>>
    %dma_start3A_159 = arith.constant 0 : i32
    %dma_start3A_160 = tpu.memref_slice %arg4[%dma_start3A_153, %mul3A_2, %dma_start3A_159] : memref<50x16384x32xf32, #tpu.memory_space<hbm>> -> memref<1x512x32xf32, #tpu.memory_space<hbm>>
    %dma_start3A_161 = tpu.memref_squeeze %dma_start3A_160 : memref<1x512x32xf32, #tpu.memory_space<hbm>> -> memref<512x32xf32, #tpu.memory_space<hbm>>
    %dma_start3A_162 = tpu.memref_slice %arg9[%dma_start3A_154] : memref<5x!tpu.dma_semaphore, #tpu.memory_space<semaphore_mem>> -> memref<1x!tpu.dma_semaphore, #tpu.memory_space<semaphore_mem>>
    %dma_start3A_163 = tpu.memref_squeeze %dma_start3A_162 : memref<1x!tpu.dma_semaphore, #tpu.memory_space<semaphore_mem>> -> memref<!tpu.dma_semaphore, #tpu.memory_space<semaphore_mem>>
    %dma_start3A_164 = arith.constant 0 : i32
    %dma_start3A_165 = tpu.memref_slice %arg4[%dma_start3A_153, %mul3A_2, %dma_start3A_164] : memref<50x16384x32xf32, #tpu.memory_space<hbm>> -> memref<1x512x32xf32, #tpu.memory_space<hbm>>
    %dma_start3A_166 = tpu.memref_squeeze %dma_start3A_165 : memref<1x512x32xf32, #tpu.memory_space<hbm>> -> memref<512x32xf32, #tpu.memory_space<hbm>>
    %dma_start3A_167 = arith.constant 0 : i32
    %dma_start3A_168 = arith.constant 0 : i32
    %dma_start3A_169 = tpu.memref_slice %arg6[%dma_start3A_152, %dma_start3A_167, %dma_start3A_168] : memref<5x512x32xf32, #tpu.memory_space<vmem>> -> memref<1x512x32xf32, #tpu.memory_space<vmem>>
    %dma_start3A_170 = tpu.memref_squeeze %dma_start3A_169 : memref<1x512x32xf32, #tpu.memory_space<vmem>> -> memref<512x32xf32, #tpu.memory_space<vmem>>
    tpu.enqueue_dma source(%dma_start3A_170 : memref<512x32xf32, #tpu.memory_space<vmem>>) target(%dma_start3A_166 : memref<512x32xf32, #tpu.memory_space<hbm>>) target_semaphore(%dma_start3A_163 : memref<!tpu.dma_semaphore, #tpu.memory_space<semaphore_mem>>)
    %dma_start3A_171 = arith.constant 4 : i32
    %dma_start3A_172 = arith.constant 4 : i32
    %dma_start3A_173 = arith.constant 4 : i32
    %dma_start3A_174 = arith.constant 0 : i32
    %dma_start3A_175 = arith.constant 0 : i32
    %dma_start3A_176 = tpu.memref_slice %arg6[%dma_start3A_172, %dma_start3A_174, %dma_start3A_175] : memref<5x512x32xf32, #tpu.memory_space<vmem>> -> memref<1x512x32xf32, #tpu.memory_space<vmem>>
    %dma_start3A_177 = tpu.memref_squeeze %dma_start3A_176 : memref<1x512x32xf32, #tpu.memory_space<vmem>> -> memref<512x32xf32, #tpu.memory_space<vmem>>
    %dma_start3A_178 = arith.constant 0 : i32
    %dma_start3A_179 = tpu.memref_slice %arg5[%dma_start3A_171, %dma_start3A_178] : memref<50x512xi32, #tpu.memory_space<vmem>> -> memref<1x512xi32, #tpu.memory_space<vmem>>
    %dma_start3A_180 = tpu.memref_squeeze %dma_start3A_179 : memref<1x512xi32, #tpu.memory_space<vmem>> -> memref<512xi32, #tpu.memory_space<vmem>>
    %dma_start3A_181 = arith.constant 0 : i32
    %dma_start3A_182 = arith.constant 0 : i32
    %dma_start3A_183 = tpu.memref_slice %arg2[%dma_start3A_181, %dma_start3A_182] : memref<4000000x32xf32, #tpu.memory_space<hbm>> -> memref<4000000x32xf32, #tpu.memory_space<hbm>>
    %dma_start3A_184 = tpu.memref_slice %arg8[%dma_start3A_173] : memref<5x!tpu.dma_semaphore, #tpu.memory_space<semaphore_mem>> -> memref<1x!tpu.dma_semaphore, #tpu.memory_space<semaphore_mem>>
    %dma_start3A_185 = tpu.memref_squeeze %dma_start3A_184 : memref<1x!tpu.dma_semaphore, #tpu.memory_space<semaphore_mem>> -> memref<!tpu.dma_semaphore, #tpu.memory_space<semaphore_mem>>
    tpu.enqueue_indirect_dma source(%dma_start3A_183 : memref<4000000x32xf32, #tpu.memory_space<hbm>>) target(%dma_start3A_177 : memref<512x32xf32, #tpu.memory_space<vmem>>) offsets(%dma_start3A_180 : memref<512xi32, #tpu.memory_space<vmem>>) semaphore(%dma_start3A_185 : memref<!tpu.dma_semaphore, #tpu.memory_space<semaphore_mem>>)
    %dma_wait3A_186 = arith.constant 0 : i32
    %dma_wait3A_187 = arith.constant 3 : i32
    %dma_wait3A_188 = arith.constant 3 : i32
    %dma_wait3A_189 = arith.constant 0 : i32
    %dma_wait3A_190 = arith.constant 0 : i32
    %dma_wait3A_191 = tpu.memref_slice %arg6[%dma_wait3A_187, %dma_wait3A_189, %dma_wait3A_190] : memref<5x512x32xf32, #tpu.memory_space<vmem>> -> memref<1x512x32xf32, #tpu.memory_space<vmem>>
    %dma_wait3A_192 = tpu.memref_squeeze %dma_wait3A_191 : memref<1x512x32xf32, #tpu.memory_space<vmem>> -> memref<512x32xf32, #tpu.memory_space<vmem>>
    %dma_wait3A_193 = arith.constant 0 : i32
    %dma_wait3A_194 = tpu.memref_slice %arg5[%dma_wait3A_186, %dma_wait3A_193] : memref<50x512xi32, #tpu.memory_space<vmem>> -> memref<1x512xi32, #tpu.memory_space<vmem>>
    %dma_wait3A_195 = tpu.memref_squeeze %dma_wait3A_194 : memref<1x512xi32, #tpu.memory_space<vmem>> -> memref<512xi32, #tpu.memory_space<vmem>>
    %dma_wait3A_196 = arith.constant 0 : i32
    %dma_wait3A_197 = arith.constant 0 : i32
    %dma_wait3A_198 = tpu.memref_slice %arg2[%dma_wait3A_196, %dma_wait3A_197] : memref<4000000x32xf32, #tpu.memory_space<hbm>> -> memref<4000000x32xf32, #tpu.memory_space<hbm>>
    %dma_wait3A_199 = tpu.memref_slice %arg8[%dma_wait3A_188] : memref<5x!tpu.dma_semaphore, #tpu.memory_space<semaphore_mem>> -> memref<1x!tpu.dma_semaphore, #tpu.memory_space<semaphore_mem>>
    %dma_wait3A_200 = tpu.memref_squeeze %dma_wait3A_199 : memref<1x!tpu.dma_semaphore, #tpu.memory_space<semaphore_mem>> -> memref<!tpu.dma_semaphore, #tpu.memory_space<semaphore_mem>>
    tpu.wait_indirect_dma semaphore(%dma_wait3A_200 : memref<!tpu.dma_semaphore, #tpu.memory_space<semaphore_mem>>) src(%dma_wait3A_198 : memref<4000000x32xf32, #tpu.memory_space<hbm>>) dst(%dma_wait3A_192 : memref<512x32xf32, #tpu.memory_space<vmem>>)
    %dma_start3A_201 = arith.constant 3 : i32
    %dma_start3A_202 = arith.constant 3 : i32
    %dma_start3A_203 = arith.constant 3 : i32
    %dma_start3A_204 = arith.constant 0 : i32
    %dma_start3A_205 = arith.constant 0 : i32
    %dma_start3A_206 = tpu.memref_slice %arg6[%dma_start3A_201, %dma_start3A_204, %dma_start3A_205] : memref<5x512x32xf32, #tpu.memory_space<vmem>> -> memref<1x512x32xf32, #tpu.memory_space<vmem>>
    %dma_start3A_207 = tpu.memref_squeeze %dma_start3A_206 : memref<1x512x32xf32, #tpu.memory_space<vmem>> -> memref<512x32xf32, #tpu.memory_space<vmem>>
    %dma_start3A_208 = arith.constant 0 : i32
    %dma_start3A_209 = tpu.memref_slice %arg4[%dma_start3A_202, %mul3A_2, %dma_start3A_208] : memref<50x16384x32xf32, #tpu.memory_space<hbm>> -> memref<1x512x32xf32, #tpu.memory_space<hbm>>
    %dma_start3A_210 = tpu.memref_squeeze %dma_start3A_209 : memref<1x512x32xf32, #tpu.memory_space<hbm>> -> memref<512x32xf32, #tpu.memory_space<hbm>>
    %dma_start3A_211 = tpu.memref_slice %arg9[%dma_start3A_203] : memref<5x!tpu.dma_semaphore, #tpu.memory_space<semaphore_mem>> -> memref<1x!tpu.dma_semaphore, #tpu.memory_space<semaphore_mem>>
    %dma_start3A_212 = tpu.memref_squeeze %dma_start3A_211 : memref<1x!tpu.dma_semaphore, #tpu.memory_space<semaphore_mem>> -> memref<!tpu.dma_semaphore, #tpu.memory_space<semaphore_mem>>
    %dma_start3A_213 = arith.constant 0 : i32
    %dma_start3A_214 = tpu.memref_slice %arg4[%dma_start3A_202, %mul3A_2, %dma_start3A_213] : memref<50x16384x32xf32, #tpu.memory_space<hbm>> -> memref<1x512x32xf32, #tpu.memory_space<hbm>>
    %dma_start3A_215 = tpu.memref_squeeze %dma_start3A_214 : memref<1x512x32xf32, #tpu.memory_space<hbm>> -> memref<512x32xf32, #tpu.memory_space<hbm>>
    %dma_start3A_216 = arith.constant 0 : i32
    %dma_start3A_217 = arith.constant 0 : i32
    %dma_start3A_218 = tpu.memref_slice %arg6[%dma_start3A_201, %dma_start3A_216, %dma_start3A_217] : memref<5x512x32xf32, #tpu.memory_space<vmem>> -> memref<1x512x32xf32, #tpu.memory_space<vmem>>
    %dma_start3A_219 = tpu.memref_squeeze %dma_start3A_218 : memref<1x512x32xf32, #tpu.memory_space<vmem>> -> memref<512x32xf32, #tpu.memory_space<vmem>>
    tpu.enqueue_dma source(%dma_start3A_219 : memref<512x32xf32, #tpu.memory_space<vmem>>) target(%dma_start3A_215 : memref<512x32xf32, #tpu.memory_space<hbm>>) target_semaphore(%dma_start3A_212 : memref<!tpu.dma_semaphore, #tpu.memory_space<semaphore_mem>>)
    %scan3A = arith.constant 0 : i32
    %scan3A_220 = arith.constant 0 : i32
    %scan3A_221 = arith.constant 9 : i32
    %scan3A_222 = arith.addi %scan3A_220, %scan3A_221 : i32
    %scan3A_223 = arith.constant 1 : i32
    scf.for %scan3A_354 = %scan3A_220 to %scan3A_222 step %scan3A_223  : i32 {
      %mul3A_355 = arith.constant 5 : i32
      %mul3A_356 = arith.muli %scan3A_354, %mul3A_355 : i32
      %add3A_357 = arith.constant 5 : i32
      %add3A_358 = arith.addi %add3A_357, %mul3A_356 : i32
      %add3A_359 = arith.constant 0 : i32
      %add3A_360 = arith.addi %add3A_358, %add3A_359 : i32
      %dma_wait3A_361 = arith.constant 0 : i32
      %dma_wait3A_362 = arith.constant 0 : i32
      %dma_wait3A_363 = arith.constant 0 : i32
      %dma_wait3A_364 = arith.constant 0 : i32
      %dma_wait3A_365 = arith.constant 0 : i32
      %dma_wait3A_366 = tpu.memref_slice %arg6[%dma_wait3A_361, %dma_wait3A_364, %dma_wait3A_365] : memref<5x512x32xf32, #tpu.memory_space<vmem>> -> memref<1x512x32xf32, #tpu.memory_space<vmem>>
      %dma_wait3A_367 = tpu.memref_squeeze %dma_wait3A_366 : memref<1x512x32xf32, #tpu.memory_space<vmem>> -> memref<512x32xf32, #tpu.memory_space<vmem>>
      %dma_wait3A_368 = arith.constant 0 : i32
      %dma_wait3A_369 = tpu.memref_slice %arg4[%dma_wait3A_362, %mul3A_2, %dma_wait3A_368] : memref<50x16384x32xf32, #tpu.memory_space<hbm>> -> memref<1x512x32xf32, #tpu.memory_space<hbm>>
      %dma_wait3A_370 = tpu.memref_squeeze %dma_wait3A_369 : memref<1x512x32xf32, #tpu.memory_space<hbm>> -> memref<512x32xf32, #tpu.memory_space<hbm>>
      %dma_wait3A_371 = tpu.memref_slice %arg9[%dma_wait3A_363] : memref<5x!tpu.dma_semaphore, #tpu.memory_space<semaphore_mem>> -> memref<1x!tpu.dma_semaphore, #tpu.memory_space<semaphore_mem>>
      %dma_wait3A_372 = tpu.memref_squeeze %dma_wait3A_371 : memref<1x!tpu.dma_semaphore, #tpu.memory_space<semaphore_mem>> -> memref<!tpu.dma_semaphore, #tpu.memory_space<semaphore_mem>>
      %dma_wait3A_373 = arith.constant 0 : i32
      %dma_wait3A_374 = tpu.memref_slice %arg4[%dma_wait3A_362, %mul3A_2, %dma_wait3A_373] : memref<50x16384x32xf32, #tpu.memory_space<hbm>> -> memref<1x512x32xf32, #tpu.memory_space<hbm>>
      %dma_wait3A_375 = tpu.memref_squeeze %dma_wait3A_374 : memref<1x512x32xf32, #tpu.memory_space<hbm>> -> memref<512x32xf32, #tpu.memory_space<hbm>>
      %dma_wait3A_376 = arith.constant 0 : i32
      %dma_wait3A_377 = arith.constant 0 : i32
      %dma_wait3A_378 = tpu.memref_slice %arg6[%dma_wait3A_361, %dma_wait3A_376, %dma_wait3A_377] : memref<5x512x32xf32, #tpu.memory_space<vmem>> -> memref<1x512x32xf32, #tpu.memory_space<vmem>>
      %dma_wait3A_379 = tpu.memref_squeeze %dma_wait3A_378 : memref<1x512x32xf32, #tpu.memory_space<vmem>> -> memref<512x32xf32, #tpu.memory_space<vmem>>
      tpu.wait_dma2 semaphore(%dma_wait3A_372 : memref<!tpu.dma_semaphore, #tpu.memory_space<semaphore_mem>>) src(%dma_wait3A_379 : memref<512x32xf32, #tpu.memory_space<vmem>>) dst(%dma_wait3A_375 : memref<512x32xf32, #tpu.memory_space<hbm>>)
      %dma_start3A_380 = arith.constant 0 : i32
      %dma_start3A_381 = arith.constant 0 : i32
      %dma_start3A_382 = arith.constant 0 : i32
      %dma_start3A_383 = arith.constant 0 : i32
      %dma_start3A_384 = tpu.memref_slice %arg6[%dma_start3A_380, %dma_start3A_382, %dma_start3A_383] : memref<5x512x32xf32, #tpu.memory_space<vmem>> -> memref<1x512x32xf32, #tpu.memory_space<vmem>>
      %dma_start3A_385 = tpu.memref_squeeze %dma_start3A_384 : memref<1x512x32xf32, #tpu.memory_space<vmem>> -> memref<512x32xf32, #tpu.memory_space<vmem>>
      %dma_start3A_386 = arith.constant 0 : i32
      %dma_start3A_387 = tpu.memref_slice %arg5[%add3A_360, %dma_start3A_386] : memref<50x512xi32, #tpu.memory_space<vmem>> -> memref<1x512xi32, #tpu.memory_space<vmem>>
      %dma_start3A_388 = tpu.memref_squeeze %dma_start3A_387 : memref<1x512xi32, #tpu.memory_space<vmem>> -> memref<512xi32, #tpu.memory_space<vmem>>
      %dma_start3A_389 = arith.constant 0 : i32
      %dma_start3A_390 = arith.constant 0 : i32
      %dma_start3A_391 = tpu.memref_slice %arg2[%dma_start3A_389, %dma_start3A_390] : memref<4000000x32xf32, #tpu.memory_space<hbm>> -> memref<4000000x32xf32, #tpu.memory_space<hbm>>
      %dma_start3A_392 = tpu.memref_slice %arg8[%dma_start3A_381] : memref<5x!tpu.dma_semaphore, #tpu.memory_space<semaphore_mem>> -> memref<1x!tpu.dma_semaphore, #tpu.memory_space<semaphore_mem>>
      %dma_start3A_393 = tpu.memref_squeeze %dma_start3A_392 : memref<1x!tpu.dma_semaphore, #tpu.memory_space<semaphore_mem>> -> memref<!tpu.dma_semaphore, #tpu.memory_space<semaphore_mem>>
      tpu.enqueue_indirect_dma source(%dma_start3A_391 : memref<4000000x32xf32, #tpu.memory_space<hbm>>) target(%dma_start3A_385 : memref<512x32xf32, #tpu.memory_space<vmem>>) offsets(%dma_start3A_388 : memref<512xi32, #tpu.memory_space<vmem>>) semaphore(%dma_start3A_393 : memref<!tpu.dma_semaphore, #tpu.memory_space<semaphore_mem>>)
      %dma_wait3A_394 = arith.constant 0 : i32
      %dma_wait3A_395 = arith.constant 4 : i32
      %dma_wait3A_396 = arith.constant 4 : i32
      %dma_wait3A_397 = arith.constant 0 : i32
      %dma_wait3A_398 = arith.constant 0 : i32
      %dma_wait3A_399 = tpu.memref_slice %arg6[%dma_wait3A_395, %dma_wait3A_397, %dma_wait3A_398] : memref<5x512x32xf32, #tpu.memory_space<vmem>> -> memref<1x512x32xf32, #tpu.memory_space<vmem>>
      %dma_wait3A_400 = tpu.memref_squeeze %dma_wait3A_399 : memref<1x512x32xf32, #tpu.memory_space<vmem>> -> memref<512x32xf32, #tpu.memory_space<vmem>>
      %dma_wait3A_401 = arith.constant 0 : i32
      %dma_wait3A_402 = tpu.memref_slice %arg5[%dma_wait3A_394, %dma_wait3A_401] : memref<50x512xi32, #tpu.memory_space<vmem>> -> memref<1x512xi32, #tpu.memory_space<vmem>>
      %dma_wait3A_403 = tpu.memref_squeeze %dma_wait3A_402 : memref<1x512xi32, #tpu.memory_space<vmem>> -> memref<512xi32, #tpu.memory_space<vmem>>
      %dma_wait3A_404 = arith.constant 0 : i32
      %dma_wait3A_405 = arith.constant 0 : i32
      %dma_wait3A_406 = tpu.memref_slice %arg2[%dma_wait3A_404, %dma_wait3A_405] : memref<4000000x32xf32, #tpu.memory_space<hbm>> -> memref<4000000x32xf32, #tpu.memory_space<hbm>>
      %dma_wait3A_407 = tpu.memref_slice %arg8[%dma_wait3A_396] : memref<5x!tpu.dma_semaphore, #tpu.memory_space<semaphore_mem>> -> memref<1x!tpu.dma_semaphore, #tpu.memory_space<semaphore_mem>>
      %dma_wait3A_408 = tpu.memref_squeeze %dma_wait3A_407 : memref<1x!tpu.dma_semaphore, #tpu.memory_space<semaphore_mem>> -> memref<!tpu.dma_semaphore, #tpu.memory_space<semaphore_mem>>
      tpu.wait_indirect_dma semaphore(%dma_wait3A_408 : memref<!tpu.dma_semaphore, #tpu.memory_space<semaphore_mem>>) src(%dma_wait3A_406 : memref<4000000x32xf32, #tpu.memory_space<hbm>>) dst(%dma_wait3A_400 : memref<512x32xf32, #tpu.memory_space<vmem>>)
      %sub3A = arith.constant 1 : i32
      %sub3A_409 = arith.subi %add3A_360, %sub3A : i32
      %dma_start3A_410 = arith.constant 4 : i32
      %dma_start3A_411 = arith.constant 4 : i32
      %dma_start3A_412 = arith.constant 0 : i32
      %dma_start3A_413 = arith.constant 0 : i32
      %dma_start3A_414 = tpu.memref_slice %arg6[%dma_start3A_410, %dma_start3A_412, %dma_start3A_413] : memref<5x512x32xf32, #tpu.memory_space<vmem>> -> memref<1x512x32xf32, #tpu.memory_space<vmem>>
      %dma_start3A_415 = tpu.memref_squeeze %dma_start3A_414 : memref<1x512x32xf32, #tpu.memory_space<vmem>> -> memref<512x32xf32, #tpu.memory_space<vmem>>
      %dma_start3A_416 = arith.constant 0 : i32
      %dma_start3A_417 = tpu.memref_slice %arg4[%sub3A_409, %mul3A_2, %dma_start3A_416] : memref<50x16384x32xf32, #tpu.memory_space<hbm>> -> memref<1x512x32xf32, #tpu.memory_space<hbm>>
      %dma_start3A_418 = tpu.memref_squeeze %dma_start3A_417 : memref<1x512x32xf32, #tpu.memory_space<hbm>> -> memref<512x32xf32, #tpu.memory_space<hbm>>
      %dma_start3A_419 = tpu.memref_slice %arg9[%dma_start3A_411] : memref<5x!tpu.dma_semaphore, #tpu.memory_space<semaphore_mem>> -> memref<1x!tpu.dma_semaphore, #tpu.memory_space<semaphore_mem>>
      %dma_start3A_420 = tpu.memref_squeeze %dma_start3A_419 : memref<1x!tpu.dma_semaphore, #tpu.memory_space<semaphore_mem>> -> memref<!tpu.dma_semaphore, #tpu.memory_space<semaphore_mem>>
      %dma_start3A_421 = arith.constant 0 : i32
      %dma_start3A_422 = tpu.memref_slice %arg4[%sub3A_409, %mul3A_2, %dma_start3A_421] : memref<50x16384x32xf32, #tpu.memory_space<hbm>> -> memref<1x512x32xf32, #tpu.memory_space<hbm>>
      %dma_start3A_423 = tpu.memref_squeeze %dma_start3A_422 : memref<1x512x32xf32, #tpu.memory_space<hbm>> -> memref<512x32xf32, #tpu.memory_space<hbm>>
      %dma_start3A_424 = arith.constant 0 : i32
      %dma_start3A_425 = arith.constant 0 : i32
      %dma_start3A_426 = tpu.memref_slice %arg6[%dma_start3A_410, %dma_start3A_424, %dma_start3A_425] : memref<5x512x32xf32, #tpu.memory_space<vmem>> -> memref<1x512x32xf32, #tpu.memory_space<vmem>>
      %dma_start3A_427 = tpu.memref_squeeze %dma_start3A_426 : memref<1x512x32xf32, #tpu.memory_space<vmem>> -> memref<512x32xf32, #tpu.memory_space<vmem>>
      tpu.enqueue_dma source(%dma_start3A_427 : memref<512x32xf32, #tpu.memory_space<vmem>>) target(%dma_start3A_423 : memref<512x32xf32, #tpu.memory_space<hbm>>) target_semaphore(%dma_start3A_420 : memref<!tpu.dma_semaphore, #tpu.memory_space<semaphore_mem>>)
      %add3A_428 = arith.constant 1 : i32
      %add3A_429 = arith.addi %add3A_358, %add3A_428 : i32
      %dma_wait3A_430 = arith.constant 1 : i32
      %dma_wait3A_431 = arith.constant 0 : i32
      %dma_wait3A_432 = arith.constant 1 : i32
      %dma_wait3A_433 = arith.constant 0 : i32
      %dma_wait3A_434 = arith.constant 0 : i32
      %dma_wait3A_435 = tpu.memref_slice %arg6[%dma_wait3A_430, %dma_wait3A_433, %dma_wait3A_434] : memref<5x512x32xf32, #tpu.memory_space<vmem>> -> memref<1x512x32xf32, #tpu.memory_space<vmem>>
      %dma_wait3A_436 = tpu.memref_squeeze %dma_wait3A_435 : memref<1x512x32xf32, #tpu.memory_space<vmem>> -> memref<512x32xf32, #tpu.memory_space<vmem>>
      %dma_wait3A_437 = arith.constant 0 : i32
      %dma_wait3A_438 = tpu.memref_slice %arg4[%dma_wait3A_431, %mul3A_2, %dma_wait3A_437] : memref<50x16384x32xf32, #tpu.memory_space<hbm>> -> memref<1x512x32xf32, #tpu.memory_space<hbm>>
      %dma_wait3A_439 = tpu.memref_squeeze %dma_wait3A_438 : memref<1x512x32xf32, #tpu.memory_space<hbm>> -> memref<512x32xf32, #tpu.memory_space<hbm>>
      %dma_wait3A_440 = tpu.memref_slice %arg9[%dma_wait3A_432] : memref<5x!tpu.dma_semaphore, #tpu.memory_space<semaphore_mem>> -> memref<1x!tpu.dma_semaphore, #tpu.memory_space<semaphore_mem>>
      %dma_wait3A_441 = tpu.memref_squeeze %dma_wait3A_440 : memref<1x!tpu.dma_semaphore, #tpu.memory_space<semaphore_mem>> -> memref<!tpu.dma_semaphore, #tpu.memory_space<semaphore_mem>>
      %dma_wait3A_442 = arith.constant 0 : i32
      %dma_wait3A_443 = tpu.memref_slice %arg4[%dma_wait3A_431, %mul3A_2, %dma_wait3A_442] : memref<50x16384x32xf32, #tpu.memory_space<hbm>> -> memref<1x512x32xf32, #tpu.memory_space<hbm>>
      %dma_wait3A_444 = tpu.memref_squeeze %dma_wait3A_443 : memref<1x512x32xf32, #tpu.memory_space<hbm>> -> memref<512x32xf32, #tpu.memory_space<hbm>>
      %dma_wait3A_445 = arith.constant 0 : i32
      %dma_wait3A_446 = arith.constant 0 : i32
      %dma_wait3A_447 = tpu.memref_slice %arg6[%dma_wait3A_430, %dma_wait3A_445, %dma_wait3A_446] : memref<5x512x32xf32, #tpu.memory_space<vmem>> -> memref<1x512x32xf32, #tpu.memory_space<vmem>>
      %dma_wait3A_448 = tpu.memref_squeeze %dma_wait3A_447 : memref<1x512x32xf32, #tpu.memory_space<vmem>> -> memref<512x32xf32, #tpu.memory_space<vmem>>
      tpu.wait_dma2 semaphore(%dma_wait3A_441 : memref<!tpu.dma_semaphore, #tpu.memory_space<semaphore_mem>>) src(%dma_wait3A_448 : memref<512x32xf32, #tpu.memory_space<vmem>>) dst(%dma_wait3A_444 : memref<512x32xf32, #tpu.memory_space<hbm>>)
      %dma_start3A_449 = arith.constant 1 : i32
      %dma_start3A_450 = arith.constant 1 : i32
      %dma_start3A_451 = arith.constant 0 : i32
      %dma_start3A_452 = arith.constant 0 : i32
      %dma_start3A_453 = tpu.memref_slice %arg6[%dma_start3A_449, %dma_start3A_451, %dma_start3A_452] : memref<5x512x32xf32, #tpu.memory_space<vmem>> -> memref<1x512x32xf32, #tpu.memory_space<vmem>>
      %dma_start3A_454 = tpu.memref_squeeze %dma_start3A_453 : memref<1x512x32xf32, #tpu.memory_space<vmem>> -> memref<512x32xf32, #tpu.memory_space<vmem>>
      %dma_start3A_455 = arith.constant 0 : i32
      %dma_start3A_456 = tpu.memref_slice %arg5[%add3A_429, %dma_start3A_455] : memref<50x512xi32, #tpu.memory_space<vmem>> -> memref<1x512xi32, #tpu.memory_space<vmem>>
      %dma_start3A_457 = tpu.memref_squeeze %dma_start3A_456 : memref<1x512xi32, #tpu.memory_space<vmem>> -> memref<512xi32, #tpu.memory_space<vmem>>
      %dma_start3A_458 = arith.constant 0 : i32
      %dma_start3A_459 = arith.constant 0 : i32
      %dma_start3A_460 = tpu.memref_slice %arg2[%dma_start3A_458, %dma_start3A_459] : memref<4000000x32xf32, #tpu.memory_space<hbm>> -> memref<4000000x32xf32, #tpu.memory_space<hbm>>
      %dma_start3A_461 = tpu.memref_slice %arg8[%dma_start3A_450] : memref<5x!tpu.dma_semaphore, #tpu.memory_space<semaphore_mem>> -> memref<1x!tpu.dma_semaphore, #tpu.memory_space<semaphore_mem>>
      %dma_start3A_462 = tpu.memref_squeeze %dma_start3A_461 : memref<1x!tpu.dma_semaphore, #tpu.memory_space<semaphore_mem>> -> memref<!tpu.dma_semaphore, #tpu.memory_space<semaphore_mem>>
      tpu.enqueue_indirect_dma source(%dma_start3A_460 : memref<4000000x32xf32, #tpu.memory_space<hbm>>) target(%dma_start3A_454 : memref<512x32xf32, #tpu.memory_space<vmem>>) offsets(%dma_start3A_457 : memref<512xi32, #tpu.memory_space<vmem>>) semaphore(%dma_start3A_462 : memref<!tpu.dma_semaphore, #tpu.memory_space<semaphore_mem>>)
      %dma_wait3A_463 = arith.constant 0 : i32
      %dma_wait3A_464 = arith.constant 0 : i32
      %dma_wait3A_465 = arith.constant 0 : i32
      %dma_wait3A_466 = arith.constant 0 : i32
      %dma_wait3A_467 = arith.constant 0 : i32
      %dma_wait3A_468 = tpu.memref_slice %arg6[%dma_wait3A_464, %dma_wait3A_466, %dma_wait3A_467] : memref<5x512x32xf32, #tpu.memory_space<vmem>> -> memref<1x512x32xf32, #tpu.memory_space<vmem>>
      %dma_wait3A_469 = tpu.memref_squeeze %dma_wait3A_468 : memref<1x512x32xf32, #tpu.memory_space<vmem>> -> memref<512x32xf32, #tpu.memory_space<vmem>>
      %dma_wait3A_470 = arith.constant 0 : i32
      %dma_wait3A_471 = tpu.memref_slice %arg5[%dma_wait3A_463, %dma_wait3A_470] : memref<50x512xi32, #tpu.memory_space<vmem>> -> memref<1x512xi32, #tpu.memory_space<vmem>>
      %dma_wait3A_472 = tpu.memref_squeeze %dma_wait3A_471 : memref<1x512xi32, #tpu.memory_space<vmem>> -> memref<512xi32, #tpu.memory_space<vmem>>
      %dma_wait3A_473 = arith.constant 0 : i32
      %dma_wait3A_474 = arith.constant 0 : i32
      %dma_wait3A_475 = tpu.memref_slice %arg2[%dma_wait3A_473, %dma_wait3A_474] : memref<4000000x32xf32, #tpu.memory_space<hbm>> -> memref<4000000x32xf32, #tpu.memory_space<hbm>>
      %dma_wait3A_476 = tpu.memref_slice %arg8[%dma_wait3A_465] : memref<5x!tpu.dma_semaphore, #tpu.memory_space<semaphore_mem>> -> memref<1x!tpu.dma_semaphore, #tpu.memory_space<semaphore_mem>>
      %dma_wait3A_477 = tpu.memref_squeeze %dma_wait3A_476 : memref<1x!tpu.dma_semaphore, #tpu.memory_space<semaphore_mem>> -> memref<!tpu.dma_semaphore, #tpu.memory_space<semaphore_mem>>
      tpu.wait_indirect_dma semaphore(%dma_wait3A_477 : memref<!tpu.dma_semaphore, #tpu.memory_space<semaphore_mem>>) src(%dma_wait3A_475 : memref<4000000x32xf32, #tpu.memory_space<hbm>>) dst(%dma_wait3A_469 : memref<512x32xf32, #tpu.memory_space<vmem>>)
      %sub3A_478 = arith.constant 1 : i32
      %sub3A_479 = arith.subi %add3A_429, %sub3A_478 : i32
      %dma_start3A_480 = arith.constant 0 : i32
      %dma_start3A_481 = arith.constant 0 : i32
      %dma_start3A_482 = arith.constant 0 : i32
      %dma_start3A_483 = arith.constant 0 : i32
      %dma_start3A_484 = tpu.memref_slice %arg6[%dma_start3A_480, %dma_start3A_482, %dma_start3A_483] : memref<5x512x32xf32, #tpu.memory_space<vmem>> -> memref<1x512x32xf32, #tpu.memory_space<vmem>>
      %dma_start3A_485 = tpu.memref_squeeze %dma_start3A_484 : memref<1x512x32xf32, #tpu.memory_space<vmem>> -> memref<512x32xf32, #tpu.memory_space<vmem>>
      %dma_start3A_486 = arith.constant 0 : i32
      %dma_start3A_487 = tpu.memref_slice %arg4[%sub3A_479, %mul3A_2, %dma_start3A_486] : memref<50x16384x32xf32, #tpu.memory_space<hbm>> -> memref<1x512x32xf32, #tpu.memory_space<hbm>>
      %dma_start3A_488 = tpu.memref_squeeze %dma_start3A_487 : memref<1x512x32xf32, #tpu.memory_space<hbm>> -> memref<512x32xf32, #tpu.memory_space<hbm>>
      %dma_start3A_489 = tpu.memref_slice %arg9[%dma_start3A_481] : memref<5x!tpu.dma_semaphore, #tpu.memory_space<semaphore_mem>> -> memref<1x!tpu.dma_semaphore, #tpu.memory_space<semaphore_mem>>
      %dma_start3A_490 = tpu.memref_squeeze %dma_start3A_489 : memref<1x!tpu.dma_semaphore, #tpu.memory_space<semaphore_mem>> -> memref<!tpu.dma_semaphore, #tpu.memory_space<semaphore_mem>>
      %dma_start3A_491 = arith.constant 0 : i32
      %dma_start3A_492 = tpu.memref_slice %arg4[%sub3A_479, %mul3A_2, %dma_start3A_491] : memref<50x16384x32xf32, #tpu.memory_space<hbm>> -> memref<1x512x32xf32, #tpu.memory_space<hbm>>
      %dma_start3A_493 = tpu.memref_squeeze %dma_start3A_492 : memref<1x512x32xf32, #tpu.memory_space<hbm>> -> memref<512x32xf32, #tpu.memory_space<hbm>>
      %dma_start3A_494 = arith.constant 0 : i32
      %dma_start3A_495 = arith.constant 0 : i32
      %dma_start3A_496 = tpu.memref_slice %arg6[%dma_start3A_480, %dma_start3A_494, %dma_start3A_495] : memref<5x512x32xf32, #tpu.memory_space<vmem>> -> memref<1x512x32xf32, #tpu.memory_space<vmem>>
      %dma_start3A_497 = tpu.memref_squeeze %dma_start3A_496 : memref<1x512x32xf32, #tpu.memory_space<vmem>> -> memref<512x32xf32, #tpu.memory_space<vmem>>
      tpu.enqueue_dma source(%dma_start3A_497 : memref<512x32xf32, #tpu.memory_space<vmem>>) target(%dma_start3A_493 : memref<512x32xf32, #tpu.memory_space<hbm>>) target_semaphore(%dma_start3A_490 : memref<!tpu.dma_semaphore, #tpu.memory_space<semaphore_mem>>)
      %add3A_498 = arith.constant 2 : i32
      %add3A_499 = arith.addi %add3A_358, %add3A_498 : i32
      %dma_wait3A_500 = arith.constant 2 : i32
      %dma_wait3A_501 = arith.constant 0 : i32
      %dma_wait3A_502 = arith.constant 2 : i32
      %dma_wait3A_503 = arith.constant 0 : i32
      %dma_wait3A_504 = arith.constant 0 : i32
      %dma_wait3A_505 = tpu.memref_slice %arg6[%dma_wait3A_500, %dma_wait3A_503, %dma_wait3A_504] : memref<5x512x32xf32, #tpu.memory_space<vmem>> -> memref<1x512x32xf32, #tpu.memory_space<vmem>>
      %dma_wait3A_506 = tpu.memref_squeeze %dma_wait3A_505 : memref<1x512x32xf32, #tpu.memory_space<vmem>> -> memref<512x32xf32, #tpu.memory_space<vmem>>
      %dma_wait3A_507 = arith.constant 0 : i32
      %dma_wait3A_508 = tpu.memref_slice %arg4[%dma_wait3A_501, %mul3A_2, %dma_wait3A_507] : memref<50x16384x32xf32, #tpu.memory_space<hbm>> -> memref<1x512x32xf32, #tpu.memory_space<hbm>>
      %dma_wait3A_509 = tpu.memref_squeeze %dma_wait3A_508 : memref<1x512x32xf32, #tpu.memory_space<hbm>> -> memref<512x32xf32, #tpu.memory_space<hbm>>
      %dma_wait3A_510 = tpu.memref_slice %arg9[%dma_wait3A_502] : memref<5x!tpu.dma_semaphore, #tpu.memory_space<semaphore_mem>> -> memref<1x!tpu.dma_semaphore, #tpu.memory_space<semaphore_mem>>
      %dma_wait3A_511 = tpu.memref_squeeze %dma_wait3A_510 : memref<1x!tpu.dma_semaphore, #tpu.memory_space<semaphore_mem>> -> memref<!tpu.dma_semaphore, #tpu.memory_space<semaphore_mem>>
      %dma_wait3A_512 = arith.constant 0 : i32
      %dma_wait3A_513 = tpu.memref_slice %arg4[%dma_wait3A_501, %mul3A_2, %dma_wait3A_512] : memref<50x16384x32xf32, #tpu.memory_space<hbm>> -> memref<1x512x32xf32, #tpu.memory_space<hbm>>
      %dma_wait3A_514 = tpu.memref_squeeze %dma_wait3A_513 : memref<1x512x32xf32, #tpu.memory_space<hbm>> -> memref<512x32xf32, #tpu.memory_space<hbm>>
      %dma_wait3A_515 = arith.constant 0 : i32
      %dma_wait3A_516 = arith.constant 0 : i32
      %dma_wait3A_517 = tpu.memref_slice %arg6[%dma_wait3A_500, %dma_wait3A_515, %dma_wait3A_516] : memref<5x512x32xf32, #tpu.memory_space<vmem>> -> memref<1x512x32xf32, #tpu.memory_space<vmem>>
      %dma_wait3A_518 = tpu.memref_squeeze %dma_wait3A_517 : memref<1x512x32xf32, #tpu.memory_space<vmem>> -> memref<512x32xf32, #tpu.memory_space<vmem>>
      tpu.wait_dma2 semaphore(%dma_wait3A_511 : memref<!tpu.dma_semaphore, #tpu.memory_space<semaphore_mem>>) src(%dma_wait3A_518 : memref<512x32xf32, #tpu.memory_space<vmem>>) dst(%dma_wait3A_514 : memref<512x32xf32, #tpu.memory_space<hbm>>)
      %dma_start3A_519 = arith.constant 2 : i32
      %dma_start3A_520 = arith.constant 2 : i32
      %dma_start3A_521 = arith.constant 0 : i32
      %dma_start3A_522 = arith.constant 0 : i32
      %dma_start3A_523 = tpu.memref_slice %arg6[%dma_start3A_519, %dma_start3A_521, %dma_start3A_522] : memref<5x512x32xf32, #tpu.memory_space<vmem>> -> memref<1x512x32xf32, #tpu.memory_space<vmem>>
      %dma_start3A_524 = tpu.memref_squeeze %dma_start3A_523 : memref<1x512x32xf32, #tpu.memory_space<vmem>> -> memref<512x32xf32, #tpu.memory_space<vmem>>
      %dma_start3A_525 = arith.constant 0 : i32
      %dma_start3A_526 = tpu.memref_slice %arg5[%add3A_499, %dma_start3A_525] : memref<50x512xi32, #tpu.memory_space<vmem>> -> memref<1x512xi32, #tpu.memory_space<vmem>>
      %dma_start3A_527 = tpu.memref_squeeze %dma_start3A_526 : memref<1x512xi32, #tpu.memory_space<vmem>> -> memref<512xi32, #tpu.memory_space<vmem>>
      %dma_start3A_528 = arith.constant 0 : i32
      %dma_start3A_529 = arith.constant 0 : i32
      %dma_start3A_530 = tpu.memref_slice %arg2[%dma_start3A_528, %dma_start3A_529] : memref<4000000x32xf32, #tpu.memory_space<hbm>> -> memref<4000000x32xf32, #tpu.memory_space<hbm>>
      %dma_start3A_531 = tpu.memref_slice %arg8[%dma_start3A_520] : memref<5x!tpu.dma_semaphore, #tpu.memory_space<semaphore_mem>> -> memref<1x!tpu.dma_semaphore, #tpu.memory_space<semaphore_mem>>
      %dma_start3A_532 = tpu.memref_squeeze %dma_start3A_531 : memref<1x!tpu.dma_semaphore, #tpu.memory_space<semaphore_mem>> -> memref<!tpu.dma_semaphore, #tpu.memory_space<semaphore_mem>>
      tpu.enqueue_indirect_dma source(%dma_start3A_530 : memref<4000000x32xf32, #tpu.memory_space<hbm>>) target(%dma_start3A_524 : memref<512x32xf32, #tpu.memory_space<vmem>>) offsets(%dma_start3A_527 : memref<512xi32, #tpu.memory_space<vmem>>) semaphore(%dma_start3A_532 : memref<!tpu.dma_semaphore, #tpu.memory_space<semaphore_mem>>)
      %dma_wait3A_533 = arith.constant 0 : i32
      %dma_wait3A_534 = arith.constant 1 : i32
      %dma_wait3A_535 = arith.constant 1 : i32
      %dma_wait3A_536 = arith.constant 0 : i32
      %dma_wait3A_537 = arith.constant 0 : i32
      %dma_wait3A_538 = tpu.memref_slice %arg6[%dma_wait3A_534, %dma_wait3A_536, %dma_wait3A_537] : memref<5x512x32xf32, #tpu.memory_space<vmem>> -> memref<1x512x32xf32, #tpu.memory_space<vmem>>
      %dma_wait3A_539 = tpu.memref_squeeze %dma_wait3A_538 : memref<1x512x32xf32, #tpu.memory_space<vmem>> -> memref<512x32xf32, #tpu.memory_space<vmem>>
      %dma_wait3A_540 = arith.constant 0 : i32
      %dma_wait3A_541 = tpu.memref_slice %arg5[%dma_wait3A_533, %dma_wait3A_540] : memref<50x512xi32, #tpu.memory_space<vmem>> -> memref<1x512xi32, #tpu.memory_space<vmem>>
      %dma_wait3A_542 = tpu.memref_squeeze %dma_wait3A_541 : memref<1x512xi32, #tpu.memory_space<vmem>> -> memref<512xi32, #tpu.memory_space<vmem>>
      %dma_wait3A_543 = arith.constant 0 : i32
      %dma_wait3A_544 = arith.constant 0 : i32
      %dma_wait3A_545 = tpu.memref_slice %arg2[%dma_wait3A_543, %dma_wait3A_544] : memref<4000000x32xf32, #tpu.memory_space<hbm>> -> memref<4000000x32xf32, #tpu.memory_space<hbm>>
      %dma_wait3A_546 = tpu.memref_slice %arg8[%dma_wait3A_535] : memref<5x!tpu.dma_semaphore, #tpu.memory_space<semaphore_mem>> -> memref<1x!tpu.dma_semaphore, #tpu.memory_space<semaphore_mem>>
      %dma_wait3A_547 = tpu.memref_squeeze %dma_wait3A_546 : memref<1x!tpu.dma_semaphore, #tpu.memory_space<semaphore_mem>> -> memref<!tpu.dma_semaphore, #tpu.memory_space<semaphore_mem>>
      tpu.wait_indirect_dma semaphore(%dma_wait3A_547 : memref<!tpu.dma_semaphore, #tpu.memory_space<semaphore_mem>>) src(%dma_wait3A_545 : memref<4000000x32xf32, #tpu.memory_space<hbm>>) dst(%dma_wait3A_539 : memref<512x32xf32, #tpu.memory_space<vmem>>)
      %sub3A_548 = arith.constant 1 : i32
      %sub3A_549 = arith.subi %add3A_499, %sub3A_548 : i32
      %dma_start3A_550 = arith.constant 1 : i32
      %dma_start3A_551 = arith.constant 1 : i32
      %dma_start3A_552 = arith.constant 0 : i32
      %dma_start3A_553 = arith.constant 0 : i32
      %dma_start3A_554 = tpu.memref_slice %arg6[%dma_start3A_550, %dma_start3A_552, %dma_start3A_553] : memref<5x512x32xf32, #tpu.memory_space<vmem>> -> memref<1x512x32xf32, #tpu.memory_space<vmem>>
      %dma_start3A_555 = tpu.memref_squeeze %dma_start3A_554 : memref<1x512x32xf32, #tpu.memory_space<vmem>> -> memref<512x32xf32, #tpu.memory_space<vmem>>
      %dma_start3A_556 = arith.constant 0 : i32
      %dma_start3A_557 = tpu.memref_slice %arg4[%sub3A_549, %mul3A_2, %dma_start3A_556] : memref<50x16384x32xf32, #tpu.memory_space<hbm>> -> memref<1x512x32xf32, #tpu.memory_space<hbm>>
      %dma_start3A_558 = tpu.memref_squeeze %dma_start3A_557 : memref<1x512x32xf32, #tpu.memory_space<hbm>> -> memref<512x32xf32, #tpu.memory_space<hbm>>
      %dma_start3A_559 = tpu.memref_slice %arg9[%dma_start3A_551] : memref<5x!tpu.dma_semaphore, #tpu.memory_space<semaphore_mem>> -> memref<1x!tpu.dma_semaphore, #tpu.memory_space<semaphore_mem>>
      %dma_start3A_560 = tpu.memref_squeeze %dma_start3A_559 : memref<1x!tpu.dma_semaphore, #tpu.memory_space<semaphore_mem>> -> memref<!tpu.dma_semaphore, #tpu.memory_space<semaphore_mem>>
      %dma_start3A_561 = arith.constant 0 : i32
      %dma_start3A_562 = tpu.memref_slice %arg4[%sub3A_549, %mul3A_2, %dma_start3A_561] : memref<50x16384x32xf32, #tpu.memory_space<hbm>> -> memref<1x512x32xf32, #tpu.memory_space<hbm>>
      %dma_start3A_563 = tpu.memref_squeeze %dma_start3A_562 : memref<1x512x32xf32, #tpu.memory_space<hbm>> -> memref<512x32xf32, #tpu.memory_space<hbm>>
      %dma_start3A_564 = arith.constant 0 : i32
      %dma_start3A_565 = arith.constant 0 : i32
      %dma_start3A_566 = tpu.memref_slice %arg6[%dma_start3A_550, %dma_start3A_564, %dma_start3A_565] : memref<5x512x32xf32, #tpu.memory_space<vmem>> -> memref<1x512x32xf32, #tpu.memory_space<vmem>>
      %dma_start3A_567 = tpu.memref_squeeze %dma_start3A_566 : memref<1x512x32xf32, #tpu.memory_space<vmem>> -> memref<512x32xf32, #tpu.memory_space<vmem>>
      tpu.enqueue_dma source(%dma_start3A_567 : memref<512x32xf32, #tpu.memory_space<vmem>>) target(%dma_start3A_563 : memref<512x32xf32, #tpu.memory_space<hbm>>) target_semaphore(%dma_start3A_560 : memref<!tpu.dma_semaphore, #tpu.memory_space<semaphore_mem>>)
      %add3A_568 = arith.constant 3 : i32
      %add3A_569 = arith.addi %add3A_358, %add3A_568 : i32
      %dma_wait3A_570 = arith.constant 3 : i32
      %dma_wait3A_571 = arith.constant 0 : i32
      %dma_wait3A_572 = arith.constant 3 : i32
      %dma_wait3A_573 = arith.constant 0 : i32
      %dma_wait3A_574 = arith.constant 0 : i32
      %dma_wait3A_575 = tpu.memref_slice %arg6[%dma_wait3A_570, %dma_wait3A_573, %dma_wait3A_574] : memref<5x512x32xf32, #tpu.memory_space<vmem>> -> memref<1x512x32xf32, #tpu.memory_space<vmem>>
      %dma_wait3A_576 = tpu.memref_squeeze %dma_wait3A_575 : memref<1x512x32xf32, #tpu.memory_space<vmem>> -> memref<512x32xf32, #tpu.memory_space<vmem>>
      %dma_wait3A_577 = arith.constant 0 : i32
      %dma_wait3A_578 = tpu.memref_slice %arg4[%dma_wait3A_571, %mul3A_2, %dma_wait3A_577] : memref<50x16384x32xf32, #tpu.memory_space<hbm>> -> memref<1x512x32xf32, #tpu.memory_space<hbm>>
      %dma_wait3A_579 = tpu.memref_squeeze %dma_wait3A_578 : memref<1x512x32xf32, #tpu.memory_space<hbm>> -> memref<512x32xf32, #tpu.memory_space<hbm>>
      %dma_wait3A_580 = tpu.memref_slice %arg9[%dma_wait3A_572] : memref<5x!tpu.dma_semaphore, #tpu.memory_space<semaphore_mem>> -> memref<1x!tpu.dma_semaphore, #tpu.memory_space<semaphore_mem>>
      %dma_wait3A_581 = tpu.memref_squeeze %dma_wait3A_580 : memref<1x!tpu.dma_semaphore, #tpu.memory_space<semaphore_mem>> -> memref<!tpu.dma_semaphore, #tpu.memory_space<semaphore_mem>>
      %dma_wait3A_582 = arith.constant 0 : i32
      %dma_wait3A_583 = tpu.memref_slice %arg4[%dma_wait3A_571, %mul3A_2, %dma_wait3A_582] : memref<50x16384x32xf32, #tpu.memory_space<hbm>> -> memref<1x512x32xf32, #tpu.memory_space<hbm>>
      %dma_wait3A_584 = tpu.memref_squeeze %dma_wait3A_583 : memref<1x512x32xf32, #tpu.memory_space<hbm>> -> memref<512x32xf32, #tpu.memory_space<hbm>>
      %dma_wait3A_585 = arith.constant 0 : i32
      %dma_wait3A_586 = arith.constant 0 : i32
      %dma_wait3A_587 = tpu.memref_slice %arg6[%dma_wait3A_570, %dma_wait3A_585, %dma_wait3A_586] : memref<5x512x32xf32, #tpu.memory_space<vmem>> -> memref<1x512x32xf32, #tpu.memory_space<vmem>>
      %dma_wait3A_588 = tpu.memref_squeeze %dma_wait3A_587 : memref<1x512x32xf32, #tpu.memory_space<vmem>> -> memref<512x32xf32, #tpu.memory_space<vmem>>
      tpu.wait_dma2 semaphore(%dma_wait3A_581 : memref<!tpu.dma_semaphore, #tpu.memory_space<semaphore_mem>>) src(%dma_wait3A_588 : memref<512x32xf32, #tpu.memory_space<vmem>>) dst(%dma_wait3A_584 : memref<512x32xf32, #tpu.memory_space<hbm>>)
      %dma_start3A_589 = arith.constant 3 : i32
      %dma_start3A_590 = arith.constant 3 : i32
      %dma_start3A_591 = arith.constant 0 : i32
      %dma_start3A_592 = arith.constant 0 : i32
      %dma_start3A_593 = tpu.memref_slice %arg6[%dma_start3A_589, %dma_start3A_591, %dma_start3A_592] : memref<5x512x32xf32, #tpu.memory_space<vmem>> -> memref<1x512x32xf32, #tpu.memory_space<vmem>>
      %dma_start3A_594 = tpu.memref_squeeze %dma_start3A_593 : memref<1x512x32xf32, #tpu.memory_space<vmem>> -> memref<512x32xf32, #tpu.memory_space<vmem>>
      %dma_start3A_595 = arith.constant 0 : i32
      %dma_start3A_596 = tpu.memref_slice %arg5[%add3A_569, %dma_start3A_595] : memref<50x512xi32, #tpu.memory_space<vmem>> -> memref<1x512xi32, #tpu.memory_space<vmem>>
      %dma_start3A_597 = tpu.memref_squeeze %dma_start3A_596 : memref<1x512xi32, #tpu.memory_space<vmem>> -> memref<512xi32, #tpu.memory_space<vmem>>
      %dma_start3A_598 = arith.constant 0 : i32
      %dma_start3A_599 = arith.constant 0 : i32
      %dma_start3A_600 = tpu.memref_slice %arg2[%dma_start3A_598, %dma_start3A_599] : memref<4000000x32xf32, #tpu.memory_space<hbm>> -> memref<4000000x32xf32, #tpu.memory_space<hbm>>
      %dma_start3A_601 = tpu.memref_slice %arg8[%dma_start3A_590] : memref<5x!tpu.dma_semaphore, #tpu.memory_space<semaphore_mem>> -> memref<1x!tpu.dma_semaphore, #tpu.memory_space<semaphore_mem>>
      %dma_start3A_602 = tpu.memref_squeeze %dma_start3A_601 : memref<1x!tpu.dma_semaphore, #tpu.memory_space<semaphore_mem>> -> memref<!tpu.dma_semaphore, #tpu.memory_space<semaphore_mem>>
      tpu.enqueue_indirect_dma source(%dma_start3A_600 : memref<4000000x32xf32, #tpu.memory_space<hbm>>) target(%dma_start3A_594 : memref<512x32xf32, #tpu.memory_space<vmem>>) offsets(%dma_start3A_597 : memref<512xi32, #tpu.memory_space<vmem>>) semaphore(%dma_start3A_602 : memref<!tpu.dma_semaphore, #tpu.memory_space<semaphore_mem>>)
      %dma_wait3A_603 = arith.constant 0 : i32
      %dma_wait3A_604 = arith.constant 2 : i32
      %dma_wait3A_605 = arith.constant 2 : i32
      %dma_wait3A_606 = arith.constant 0 : i32
      %dma_wait3A_607 = arith.constant 0 : i32
      %dma_wait3A_608 = tpu.memref_slice %arg6[%dma_wait3A_604, %dma_wait3A_606, %dma_wait3A_607] : memref<5x512x32xf32, #tpu.memory_space<vmem>> -> memref<1x512x32xf32, #tpu.memory_space<vmem>>
      %dma_wait3A_609 = tpu.memref_squeeze %dma_wait3A_608 : memref<1x512x32xf32, #tpu.memory_space<vmem>> -> memref<512x32xf32, #tpu.memory_space<vmem>>
      %dma_wait3A_610 = arith.constant 0 : i32
      %dma_wait3A_611 = tpu.memref_slice %arg5[%dma_wait3A_603, %dma_wait3A_610] : memref<50x512xi32, #tpu.memory_space<vmem>> -> memref<1x512xi32, #tpu.memory_space<vmem>>
      %dma_wait3A_612 = tpu.memref_squeeze %dma_wait3A_611 : memref<1x512xi32, #tpu.memory_space<vmem>> -> memref<512xi32, #tpu.memory_space<vmem>>
      %dma_wait3A_613 = arith.constant 0 : i32
      %dma_wait3A_614 = arith.constant 0 : i32
      %dma_wait3A_615 = tpu.memref_slice %arg2[%dma_wait3A_613, %dma_wait3A_614] : memref<4000000x32xf32, #tpu.memory_space<hbm>> -> memref<4000000x32xf32, #tpu.memory_space<hbm>>
      %dma_wait3A_616 = tpu.memref_slice %arg8[%dma_wait3A_605] : memref<5x!tpu.dma_semaphore, #tpu.memory_space<semaphore_mem>> -> memref<1x!tpu.dma_semaphore, #tpu.memory_space<semaphore_mem>>
      %dma_wait3A_617 = tpu.memref_squeeze %dma_wait3A_616 : memref<1x!tpu.dma_semaphore, #tpu.memory_space<semaphore_mem>> -> memref<!tpu.dma_semaphore, #tpu.memory_space<semaphore_mem>>
      tpu.wait_indirect_dma semaphore(%dma_wait3A_617 : memref<!tpu.dma_semaphore, #tpu.memory_space<semaphore_mem>>) src(%dma_wait3A_615 : memref<4000000x32xf32, #tpu.memory_space<hbm>>) dst(%dma_wait3A_609 : memref<512x32xf32, #tpu.memory_space<vmem>>)
      %sub3A_618 = arith.constant 1 : i32
      %sub3A_619 = arith.subi %add3A_569, %sub3A_618 : i32
      %dma_start3A_620 = arith.constant 2 : i32
      %dma_start3A_621 = arith.constant 2 : i32
      %dma_start3A_622 = arith.constant 0 : i32
      %dma_start3A_623 = arith.constant 0 : i32
      %dma_start3A_624 = tpu.memref_slice %arg6[%dma_start3A_620, %dma_start3A_622, %dma_start3A_623] : memref<5x512x32xf32, #tpu.memory_space<vmem>> -> memref<1x512x32xf32, #tpu.memory_space<vmem>>
      %dma_start3A_625 = tpu.memref_squeeze %dma_start3A_624 : memref<1x512x32xf32, #tpu.memory_space<vmem>> -> memref<512x32xf32, #tpu.memory_space<vmem>>
      %dma_start3A_626 = arith.constant 0 : i32
      %dma_start3A_627 = tpu.memref_slice %arg4[%sub3A_619, %mul3A_2, %dma_start3A_626] : memref<50x16384x32xf32, #tpu.memory_space<hbm>> -> memref<1x512x32xf32, #tpu.memory_space<hbm>>
      %dma_start3A_628 = tpu.memref_squeeze %dma_start3A_627 : memref<1x512x32xf32, #tpu.memory_space<hbm>> -> memref<512x32xf32, #tpu.memory_space<hbm>>
      %dma_start3A_629 = tpu.memref_slice %arg9[%dma_start3A_621] : memref<5x!tpu.dma_semaphore, #tpu.memory_space<semaphore_mem>> -> memref<1x!tpu.dma_semaphore, #tpu.memory_space<semaphore_mem>>
      %dma_start3A_630 = tpu.memref_squeeze %dma_start3A_629 : memref<1x!tpu.dma_semaphore, #tpu.memory_space<semaphore_mem>> -> memref<!tpu.dma_semaphore, #tpu.memory_space<semaphore_mem>>
      %dma_start3A_631 = arith.constant 0 : i32
      %dma_start3A_632 = tpu.memref_slice %arg4[%sub3A_619, %mul3A_2, %dma_start3A_631] : memref<50x16384x32xf32, #tpu.memory_space<hbm>> -> memref<1x512x32xf32, #tpu.memory_space<hbm>>
      %dma_start3A_633 = tpu.memref_squeeze %dma_start3A_632 : memref<1x512x32xf32, #tpu.memory_space<hbm>> -> memref<512x32xf32, #tpu.memory_space<hbm>>
      %dma_start3A_634 = arith.constant 0 : i32
      %dma_start3A_635 = arith.constant 0 : i32
      %dma_start3A_636 = tpu.memref_slice %arg6[%dma_start3A_620, %dma_start3A_634, %dma_start3A_635] : memref<5x512x32xf32, #tpu.memory_space<vmem>> -> memref<1x512x32xf32, #tpu.memory_space<vmem>>
      %dma_start3A_637 = tpu.memref_squeeze %dma_start3A_636 : memref<1x512x32xf32, #tpu.memory_space<vmem>> -> memref<512x32xf32, #tpu.memory_space<vmem>>
      tpu.enqueue_dma source(%dma_start3A_637 : memref<512x32xf32, #tpu.memory_space<vmem>>) target(%dma_start3A_633 : memref<512x32xf32, #tpu.memory_space<hbm>>) target_semaphore(%dma_start3A_630 : memref<!tpu.dma_semaphore, #tpu.memory_space<semaphore_mem>>)
      %add3A_638 = arith.constant 4 : i32
      %add3A_639 = arith.addi %add3A_358, %add3A_638 : i32
      %dma_wait3A_640 = arith.constant 4 : i32
      %dma_wait3A_641 = arith.constant 0 : i32
      %dma_wait3A_642 = arith.constant 4 : i32
      %dma_wait3A_643 = arith.constant 0 : i32
      %dma_wait3A_644 = arith.constant 0 : i32
      %dma_wait3A_645 = tpu.memref_slice %arg6[%dma_wait3A_640, %dma_wait3A_643, %dma_wait3A_644] : memref<5x512x32xf32, #tpu.memory_space<vmem>> -> memref<1x512x32xf32, #tpu.memory_space<vmem>>
      %dma_wait3A_646 = tpu.memref_squeeze %dma_wait3A_645 : memref<1x512x32xf32, #tpu.memory_space<vmem>> -> memref<512x32xf32, #tpu.memory_space<vmem>>
      %dma_wait3A_647 = arith.constant 0 : i32
      %dma_wait3A_648 = tpu.memref_slice %arg4[%dma_wait3A_641, %mul3A_2, %dma_wait3A_647] : memref<50x16384x32xf32, #tpu.memory_space<hbm>> -> memref<1x512x32xf32, #tpu.memory_space<hbm>>
      %dma_wait3A_649 = tpu.memref_squeeze %dma_wait3A_648 : memref<1x512x32xf32, #tpu.memory_space<hbm>> -> memref<512x32xf32, #tpu.memory_space<hbm>>
      %dma_wait3A_650 = tpu.memref_slice %arg9[%dma_wait3A_642] : memref<5x!tpu.dma_semaphore, #tpu.memory_space<semaphore_mem>> -> memref<1x!tpu.dma_semaphore, #tpu.memory_space<semaphore_mem>>
      %dma_wait3A_651 = tpu.memref_squeeze %dma_wait3A_650 : memref<1x!tpu.dma_semaphore, #tpu.memory_space<semaphore_mem>> -> memref<!tpu.dma_semaphore, #tpu.memory_space<semaphore_mem>>
      %dma_wait3A_652 = arith.constant 0 : i32
      %dma_wait3A_653 = tpu.memref_slice %arg4[%dma_wait3A_641, %mul3A_2, %dma_wait3A_652] : memref<50x16384x32xf32, #tpu.memory_space<hbm>> -> memref<1x512x32xf32, #tpu.memory_space<hbm>>
      %dma_wait3A_654 = tpu.memref_squeeze %dma_wait3A_653 : memref<1x512x32xf32, #tpu.memory_space<hbm>> -> memref<512x32xf32, #tpu.memory_space<hbm>>
      %dma_wait3A_655 = arith.constant 0 : i32
      %dma_wait3A_656 = arith.constant 0 : i32
      %dma_wait3A_657 = tpu.memref_slice %arg6[%dma_wait3A_640, %dma_wait3A_655, %dma_wait3A_656] : memref<5x512x32xf32, #tpu.memory_space<vmem>> -> memref<1x512x32xf32, #tpu.memory_space<vmem>>
      %dma_wait3A_658 = tpu.memref_squeeze %dma_wait3A_657 : memref<1x512x32xf32, #tpu.memory_space<vmem>> -> memref<512x32xf32, #tpu.memory_space<vmem>>
      tpu.wait_dma2 semaphore(%dma_wait3A_651 : memref<!tpu.dma_semaphore, #tpu.memory_space<semaphore_mem>>) src(%dma_wait3A_658 : memref<512x32xf32, #tpu.memory_space<vmem>>) dst(%dma_wait3A_654 : memref<512x32xf32, #tpu.memory_space<hbm>>)
      %dma_start3A_659 = arith.constant 4 : i32
      %dma_start3A_660 = arith.constant 4 : i32
      %dma_start3A_661 = arith.constant 0 : i32
      %dma_start3A_662 = arith.constant 0 : i32
      %dma_start3A_663 = tpu.memref_slice %arg6[%dma_start3A_659, %dma_start3A_661, %dma_start3A_662] : memref<5x512x32xf32, #tpu.memory_space<vmem>> -> memref<1x512x32xf32, #tpu.memory_space<vmem>>
      %dma_start3A_664 = tpu.memref_squeeze %dma_start3A_663 : memref<1x512x32xf32, #tpu.memory_space<vmem>> -> memref<512x32xf32, #tpu.memory_space<vmem>>
      %dma_start3A_665 = arith.constant 0 : i32
      %dma_start3A_666 = tpu.memref_slice %arg5[%add3A_639, %dma_start3A_665] : memref<50x512xi32, #tpu.memory_space<vmem>> -> memref<1x512xi32, #tpu.memory_space<vmem>>
      %dma_start3A_667 = tpu.memref_squeeze %dma_start3A_666 : memref<1x512xi32, #tpu.memory_space<vmem>> -> memref<512xi32, #tpu.memory_space<vmem>>
      %dma_start3A_668 = arith.constant 0 : i32
      %dma_start3A_669 = arith.constant 0 : i32
      %dma_start3A_670 = tpu.memref_slice %arg2[%dma_start3A_668, %dma_start3A_669] : memref<4000000x32xf32, #tpu.memory_space<hbm>> -> memref<4000000x32xf32, #tpu.memory_space<hbm>>
      %dma_start3A_671 = tpu.memref_slice %arg8[%dma_start3A_660] : memref<5x!tpu.dma_semaphore, #tpu.memory_space<semaphore_mem>> -> memref<1x!tpu.dma_semaphore, #tpu.memory_space<semaphore_mem>>
      %dma_start3A_672 = tpu.memref_squeeze %dma_start3A_671 : memref<1x!tpu.dma_semaphore, #tpu.memory_space<semaphore_mem>> -> memref<!tpu.dma_semaphore, #tpu.memory_space<semaphore_mem>>
      tpu.enqueue_indirect_dma source(%dma_start3A_670 : memref<4000000x32xf32, #tpu.memory_space<hbm>>) target(%dma_start3A_664 : memref<512x32xf32, #tpu.memory_space<vmem>>) offsets(%dma_start3A_667 : memref<512xi32, #tpu.memory_space<vmem>>) semaphore(%dma_start3A_672 : memref<!tpu.dma_semaphore, #tpu.memory_space<semaphore_mem>>)
      %dma_wait3A_673 = arith.constant 0 : i32
      %dma_wait3A_674 = arith.constant 3 : i32
      %dma_wait3A_675 = arith.constant 3 : i32
      %dma_wait3A_676 = arith.constant 0 : i32
      %dma_wait3A_677 = arith.constant 0 : i32
      %dma_wait3A_678 = tpu.memref_slice %arg6[%dma_wait3A_674, %dma_wait3A_676, %dma_wait3A_677] : memref<5x512x32xf32, #tpu.memory_space<vmem>> -> memref<1x512x32xf32, #tpu.memory_space<vmem>>
      %dma_wait3A_679 = tpu.memref_squeeze %dma_wait3A_678 : memref<1x512x32xf32, #tpu.memory_space<vmem>> -> memref<512x32xf32, #tpu.memory_space<vmem>>
      %dma_wait3A_680 = arith.constant 0 : i32
      %dma_wait3A_681 = tpu.memref_slice %arg5[%dma_wait3A_673, %dma_wait3A_680] : memref<50x512xi32, #tpu.memory_space<vmem>> -> memref<1x512xi32, #tpu.memory_space<vmem>>
      %dma_wait3A_682 = tpu.memref_squeeze %dma_wait3A_681 : memref<1x512xi32, #tpu.memory_space<vmem>> -> memref<512xi32, #tpu.memory_space<vmem>>
      %dma_wait3A_683 = arith.constant 0 : i32
      %dma_wait3A_684 = arith.constant 0 : i32
      %dma_wait3A_685 = tpu.memref_slice %arg2[%dma_wait3A_683, %dma_wait3A_684] : memref<4000000x32xf32, #tpu.memory_space<hbm>> -> memref<4000000x32xf32, #tpu.memory_space<hbm>>
      %dma_wait3A_686 = tpu.memref_slice %arg8[%dma_wait3A_675] : memref<5x!tpu.dma_semaphore, #tpu.memory_space<semaphore_mem>> -> memref<1x!tpu.dma_semaphore, #tpu.memory_space<semaphore_mem>>
      %dma_wait3A_687 = tpu.memref_squeeze %dma_wait3A_686 : memref<1x!tpu.dma_semaphore, #tpu.memory_space<semaphore_mem>> -> memref<!tpu.dma_semaphore, #tpu.memory_space<semaphore_mem>>
      tpu.wait_indirect_dma semaphore(%dma_wait3A_687 : memref<!tpu.dma_semaphore, #tpu.memory_space<semaphore_mem>>) src(%dma_wait3A_685 : memref<4000000x32xf32, #tpu.memory_space<hbm>>) dst(%dma_wait3A_679 : memref<512x32xf32, #tpu.memory_space<vmem>>)
      %sub3A_688 = arith.constant 1 : i32
      %sub3A_689 = arith.subi %add3A_639, %sub3A_688 : i32
      %dma_start3A_690 = arith.constant 3 : i32
      %dma_start3A_691 = arith.constant 3 : i32
      %dma_start3A_692 = arith.constant 0 : i32
      %dma_start3A_693 = arith.constant 0 : i32
      %dma_start3A_694 = tpu.memref_slice %arg6[%dma_start3A_690, %dma_start3A_692, %dma_start3A_693] : memref<5x512x32xf32, #tpu.memory_space<vmem>> -> memref<1x512x32xf32, #tpu.memory_space<vmem>>
      %dma_start3A_695 = tpu.memref_squeeze %dma_start3A_694 : memref<1x512x32xf32, #tpu.memory_space<vmem>> -> memref<512x32xf32, #tpu.memory_space<vmem>>
      %dma_start3A_696 = arith.constant 0 : i32
      %dma_start3A_697 = tpu.memref_slice %arg4[%sub3A_689, %mul3A_2, %dma_start3A_696] : memref<50x16384x32xf32, #tpu.memory_space<hbm>> -> memref<1x512x32xf32, #tpu.memory_space<hbm>>
      %dma_start3A_698 = tpu.memref_squeeze %dma_start3A_697 : memref<1x512x32xf32, #tpu.memory_space<hbm>> -> memref<512x32xf32, #tpu.memory_space<hbm>>
      %dma_start3A_699 = tpu.memref_slice %arg9[%dma_start3A_691] : memref<5x!tpu.dma_semaphore, #tpu.memory_space<semaphore_mem>> -> memref<1x!tpu.dma_semaphore, #tpu.memory_space<semaphore_mem>>
      %dma_start3A_700 = tpu.memref_squeeze %dma_start3A_699 : memref<1x!tpu.dma_semaphore, #tpu.memory_space<semaphore_mem>> -> memref<!tpu.dma_semaphore, #tpu.memory_space<semaphore_mem>>
      %dma_start3A_701 = arith.constant 0 : i32
      %dma_start3A_702 = tpu.memref_slice %arg4[%sub3A_689, %mul3A_2, %dma_start3A_701] : memref<50x16384x32xf32, #tpu.memory_space<hbm>> -> memref<1x512x32xf32, #tpu.memory_space<hbm>>
      %dma_start3A_703 = tpu.memref_squeeze %dma_start3A_702 : memref<1x512x32xf32, #tpu.memory_space<hbm>> -> memref<512x32xf32, #tpu.memory_space<hbm>>
      %dma_start3A_704 = arith.constant 0 : i32
      %dma_start3A_705 = arith.constant 0 : i32
      %dma_start3A_706 = tpu.memref_slice %arg6[%dma_start3A_690, %dma_start3A_704, %dma_start3A_705] : memref<5x512x32xf32, #tpu.memory_space<vmem>> -> memref<1x512x32xf32, #tpu.memory_space<vmem>>
      %dma_start3A_707 = tpu.memref_squeeze %dma_start3A_706 : memref<1x512x32xf32, #tpu.memory_space<vmem>> -> memref<512x32xf32, #tpu.memory_space<vmem>>
      tpu.enqueue_dma source(%dma_start3A_707 : memref<512x32xf32, #tpu.memory_space<vmem>>) target(%dma_start3A_703 : memref<512x32xf32, #tpu.memory_space<hbm>>) target_semaphore(%dma_start3A_700 : memref<!tpu.dma_semaphore, #tpu.memory_space<semaphore_mem>>)
    }
    %scan3A_224 = arith.constant 9 : i32
    %dma_wait3A_225 = arith.constant 0 : i32
    %dma_wait3A_226 = arith.constant 4 : i32
    %dma_wait3A_227 = arith.constant 4 : i32
    %dma_wait3A_228 = arith.constant 0 : i32
    %dma_wait3A_229 = arith.constant 0 : i32
    %dma_wait3A_230 = tpu.memref_slice %arg6[%dma_wait3A_226, %dma_wait3A_228, %dma_wait3A_229] : memref<5x512x32xf32, #tpu.memory_space<vmem>> -> memref<1x512x32xf32, #tpu.memory_space<vmem>>
    %dma_wait3A_231 = tpu.memref_squeeze %dma_wait3A_230 : memref<1x512x32xf32, #tpu.memory_space<vmem>> -> memref<512x32xf32, #tpu.memory_space<vmem>>
    %dma_wait3A_232 = arith.constant 0 : i32
    %dma_wait3A_233 = tpu.memref_slice %arg5[%dma_wait3A_225, %dma_wait3A_232] : memref<50x512xi32, #tpu.memory_space<vmem>> -> memref<1x512xi32, #tpu.memory_space<vmem>>
    %dma_wait3A_234 = tpu.memref_squeeze %dma_wait3A_233 : memref<1x512xi32, #tpu.memory_space<vmem>> -> memref<512xi32, #tpu.memory_space<vmem>>
    %dma_wait3A_235 = arith.constant 0 : i32
    %dma_wait3A_236 = arith.constant 0 : i32
    %dma_wait3A_237 = tpu.memref_slice %arg2[%dma_wait3A_235, %dma_wait3A_236] : memref<4000000x32xf32, #tpu.memory_space<hbm>> -> memref<4000000x32xf32, #tpu.memory_space<hbm>>
    %dma_wait3A_238 = tpu.memref_slice %arg8[%dma_wait3A_227] : memref<5x!tpu.dma_semaphore, #tpu.memory_space<semaphore_mem>> -> memref<1x!tpu.dma_semaphore, #tpu.memory_space<semaphore_mem>>
    %dma_wait3A_239 = tpu.memref_squeeze %dma_wait3A_238 : memref<1x!tpu.dma_semaphore, #tpu.memory_space<semaphore_mem>> -> memref<!tpu.dma_semaphore, #tpu.memory_space<semaphore_mem>>
    tpu.wait_indirect_dma semaphore(%dma_wait3A_239 : memref<!tpu.dma_semaphore, #tpu.memory_space<semaphore_mem>>) src(%dma_wait3A_237 : memref<4000000x32xf32, #tpu.memory_space<hbm>>) dst(%dma_wait3A_231 : memref<512x32xf32, #tpu.memory_space<vmem>>)
    %dma_start3A_240 = arith.constant 4 : i32
    %dma_start3A_241 = arith.constant 49 : i32
    %dma_start3A_242 = arith.constant 4 : i32
    %dma_start3A_243 = arith.constant 0 : i32
    %dma_start3A_244 = arith.constant 0 : i32
    %dma_start3A_245 = tpu.memref_slice %arg6[%dma_start3A_240, %dma_start3A_243, %dma_start3A_244] : memref<5x512x32xf32, #tpu.memory_space<vmem>> -> memref<1x512x32xf32, #tpu.memory_space<vmem>>
    %dma_start3A_246 = tpu.memref_squeeze %dma_start3A_245 : memref<1x512x32xf32, #tpu.memory_space<vmem>> -> memref<512x32xf32, #tpu.memory_space<vmem>>
    %dma_start3A_247 = arith.constant 0 : i32
    %dma_start3A_248 = tpu.memref_slice %arg4[%dma_start3A_241, %mul3A_2, %dma_start3A_247] : memref<50x16384x32xf32, #tpu.memory_space<hbm>> -> memref<1x512x32xf32, #tpu.memory_space<hbm>>
    %dma_start3A_249 = tpu.memref_squeeze %dma_start3A_248 : memref<1x512x32xf32, #tpu.memory_space<hbm>> -> memref<512x32xf32, #tpu.memory_space<hbm>>
    %dma_start3A_250 = tpu.memref_slice %arg9[%dma_start3A_242] : memref<5x!tpu.dma_semaphore, #tpu.memory_space<semaphore_mem>> -> memref<1x!tpu.dma_semaphore, #tpu.memory_space<semaphore_mem>>
    %dma_start3A_251 = tpu.memref_squeeze %dma_start3A_250 : memref<1x!tpu.dma_semaphore, #tpu.memory_space<semaphore_mem>> -> memref<!tpu.dma_semaphore, #tpu.memory_space<semaphore_mem>>
    %dma_start3A_252 = arith.constant 0 : i32
    %dma_start3A_253 = tpu.memref_slice %arg4[%dma_start3A_241, %mul3A_2, %dma_start3A_252] : memref<50x16384x32xf32, #tpu.memory_space<hbm>> -> memref<1x512x32xf32, #tpu.memory_space<hbm>>
    %dma_start3A_254 = tpu.memref_squeeze %dma_start3A_253 : memref<1x512x32xf32, #tpu.memory_space<hbm>> -> memref<512x32xf32, #tpu.memory_space<hbm>>
    %dma_start3A_255 = arith.constant 0 : i32
    %dma_start3A_256 = arith.constant 0 : i32
    %dma_start3A_257 = tpu.memref_slice %arg6[%dma_start3A_240, %dma_start3A_255, %dma_start3A_256] : memref<5x512x32xf32, #tpu.memory_space<vmem>> -> memref<1x512x32xf32, #tpu.memory_space<vmem>>
    %dma_start3A_258 = tpu.memref_squeeze %dma_start3A_257 : memref<1x512x32xf32, #tpu.memory_space<vmem>> -> memref<512x32xf32, #tpu.memory_space<vmem>>
    tpu.enqueue_dma source(%dma_start3A_258 : memref<512x32xf32, #tpu.memory_space<vmem>>) target(%dma_start3A_254 : memref<512x32xf32, #tpu.memory_space<hbm>>) target_semaphore(%dma_start3A_251 : memref<!tpu.dma_semaphore, #tpu.memory_space<semaphore_mem>>)
    %dma_wait3A_259 = arith.constant 0 : i32
    %dma_wait3A_260 = arith.constant 0 : i32
    %dma_wait3A_261 = arith.constant 0 : i32
    %dma_wait3A_262 = arith.constant 0 : i32
    %dma_wait3A_263 = arith.constant 0 : i32
    %dma_wait3A_264 = tpu.memref_slice %arg6[%dma_wait3A_259, %dma_wait3A_262, %dma_wait3A_263] : memref<5x512x32xf32, #tpu.memory_space<vmem>> -> memref<1x512x32xf32, #tpu.memory_space<vmem>>
    %dma_wait3A_265 = tpu.memref_squeeze %dma_wait3A_264 : memref<1x512x32xf32, #tpu.memory_space<vmem>> -> memref<512x32xf32, #tpu.memory_space<vmem>>
    %dma_wait3A_266 = arith.constant 0 : i32
    %dma_wait3A_267 = tpu.memref_slice %arg4[%dma_wait3A_260, %mul3A_2, %dma_wait3A_266] : memref<50x16384x32xf32, #tpu.memory_space<hbm>> -> memref<1x512x32xf32, #tpu.memory_space<hbm>>
    %dma_wait3A_268 = tpu.memref_squeeze %dma_wait3A_267 : memref<1x512x32xf32, #tpu.memory_space<hbm>> -> memref<512x32xf32, #tpu.memory_space<hbm>>
    %dma_wait3A_269 = tpu.memref_slice %arg9[%dma_wait3A_261] : memref<5x!tpu.dma_semaphore, #tpu.memory_space<semaphore_mem>> -> memref<1x!tpu.dma_semaphore, #tpu.memory_space<semaphore_mem>>
    %dma_wait3A_270 = tpu.memref_squeeze %dma_wait3A_269 : memref<1x!tpu.dma_semaphore, #tpu.memory_space<semaphore_mem>> -> memref<!tpu.dma_semaphore, #tpu.memory_space<semaphore_mem>>
    %dma_wait3A_271 = arith.constant 0 : i32
    %dma_wait3A_272 = tpu.memref_slice %arg4[%dma_wait3A_260, %mul3A_2, %dma_wait3A_271] : memref<50x16384x32xf32, #tpu.memory_space<hbm>> -> memref<1x512x32xf32, #tpu.memory_space<hbm>>
    %dma_wait3A_273 = tpu.memref_squeeze %dma_wait3A_272 : memref<1x512x32xf32, #tpu.memory_space<hbm>> -> memref<512x32xf32, #tpu.memory_space<hbm>>
    %dma_wait3A_274 = arith.constant 0 : i32
    %dma_wait3A_275 = arith.constant 0 : i32
    %dma_wait3A_276 = tpu.memref_slice %arg6[%dma_wait3A_259, %dma_wait3A_274, %dma_wait3A_275] : memref<5x512x32xf32, #tpu.memory_space<vmem>> -> memref<1x512x32xf32, #tpu.memory_space<vmem>>
    %dma_wait3A_277 = tpu.memref_squeeze %dma_wait3A_276 : memref<1x512x32xf32, #tpu.memory_space<vmem>> -> memref<512x32xf32, #tpu.memory_space<vmem>>
    tpu.wait_dma2 semaphore(%dma_wait3A_270 : memref<!tpu.dma_semaphore, #tpu.memory_space<semaphore_mem>>) src(%dma_wait3A_277 : memref<512x32xf32, #tpu.memory_space<vmem>>) dst(%dma_wait3A_273 : memref<512x32xf32, #tpu.memory_space<hbm>>)
    %dma_wait3A_278 = arith.constant 1 : i32
    %dma_wait3A_279 = arith.constant 0 : i32
    %dma_wait3A_280 = arith.constant 1 : i32
    %dma_wait3A_281 = arith.constant 0 : i32
    %dma_wait3A_282 = arith.constant 0 : i32
    %dma_wait3A_283 = tpu.memref_slice %arg6[%dma_wait3A_278, %dma_wait3A_281, %dma_wait3A_282] : memref<5x512x32xf32, #tpu.memory_space<vmem>> -> memref<1x512x32xf32, #tpu.memory_space<vmem>>
    %dma_wait3A_284 = tpu.memref_squeeze %dma_wait3A_283 : memref<1x512x32xf32, #tpu.memory_space<vmem>> -> memref<512x32xf32, #tpu.memory_space<vmem>>
    %dma_wait3A_285 = arith.constant 0 : i32
    %dma_wait3A_286 = tpu.memref_slice %arg4[%dma_wait3A_279, %mul3A_2, %dma_wait3A_285] : memref<50x16384x32xf32, #tpu.memory_space<hbm>> -> memref<1x512x32xf32, #tpu.memory_space<hbm>>
    %dma_wait3A_287 = tpu.memref_squeeze %dma_wait3A_286 : memref<1x512x32xf32, #tpu.memory_space<hbm>> -> memref<512x32xf32, #tpu.memory_space<hbm>>
    %dma_wait3A_288 = tpu.memref_slice %arg9[%dma_wait3A_280] : memref<5x!tpu.dma_semaphore, #tpu.memory_space<semaphore_mem>> -> memref<1x!tpu.dma_semaphore, #tpu.memory_space<semaphore_mem>>
    %dma_wait3A_289 = tpu.memref_squeeze %dma_wait3A_288 : memref<1x!tpu.dma_semaphore, #tpu.memory_space<semaphore_mem>> -> memref<!tpu.dma_semaphore, #tpu.memory_space<semaphore_mem>>
    %dma_wait3A_290 = arith.constant 0 : i32
    %dma_wait3A_291 = tpu.memref_slice %arg4[%dma_wait3A_279, %mul3A_2, %dma_wait3A_290] : memref<50x16384x32xf32, #tpu.memory_space<hbm>> -> memref<1x512x32xf32, #tpu.memory_space<hbm>>
    %dma_wait3A_292 = tpu.memref_squeeze %dma_wait3A_291 : memref<1x512x32xf32, #tpu.memory_space<hbm>> -> memref<512x32xf32, #tpu.memory_space<hbm>>
    %dma_wait3A_293 = arith.constant 0 : i32
    %dma_wait3A_294 = arith.constant 0 : i32
    %dma_wait3A_295 = tpu.memref_slice %arg6[%dma_wait3A_278, %dma_wait3A_293, %dma_wait3A_294] : memref<5x512x32xf32, #tpu.memory_space<vmem>> -> memref<1x512x32xf32, #tpu.memory_space<vmem>>
    %dma_wait3A_296 = tpu.memref_squeeze %dma_wait3A_295 : memref<1x512x32xf32, #tpu.memory_space<vmem>> -> memref<512x32xf32, #tpu.memory_space<vmem>>
    tpu.wait_dma2 semaphore(%dma_wait3A_289 : memref<!tpu.dma_semaphore, #tpu.memory_space<semaphore_mem>>) src(%dma_wait3A_296 : memref<512x32xf32, #tpu.memory_space<vmem>>) dst(%dma_wait3A_292 : memref<512x32xf32, #tpu.memory_space<hbm>>)
    %dma_wait3A_297 = arith.constant 2 : i32
    %dma_wait3A_298 = arith.constant 0 : i32
    %dma_wait3A_299 = arith.constant 2 : i32
    %dma_wait3A_300 = arith.constant 0 : i32
    %dma_wait3A_301 = arith.constant 0 : i32
    %dma_wait3A_302 = tpu.memref_slice %arg6[%dma_wait3A_297, %dma_wait3A_300, %dma_wait3A_301] : memref<5x512x32xf32, #tpu.memory_space<vmem>> -> memref<1x512x32xf32, #tpu.memory_space<vmem>>
    %dma_wait3A_303 = tpu.memref_squeeze %dma_wait3A_302 : memref<1x512x32xf32, #tpu.memory_space<vmem>> -> memref<512x32xf32, #tpu.memory_space<vmem>>
    %dma_wait3A_304 = arith.constant 0 : i32
    %dma_wait3A_305 = tpu.memref_slice %arg4[%dma_wait3A_298, %mul3A_2, %dma_wait3A_304] : memref<50x16384x32xf32, #tpu.memory_space<hbm>> -> memref<1x512x32xf32, #tpu.memory_space<hbm>>
    %dma_wait3A_306 = tpu.memref_squeeze %dma_wait3A_305 : memref<1x512x32xf32, #tpu.memory_space<hbm>> -> memref<512x32xf32, #tpu.memory_space<hbm>>
    %dma_wait3A_307 = tpu.memref_slice %arg9[%dma_wait3A_299] : memref<5x!tpu.dma_semaphore, #tpu.memory_space<semaphore_mem>> -> memref<1x!tpu.dma_semaphore, #tpu.memory_space<semaphore_mem>>
    %dma_wait3A_308 = tpu.memref_squeeze %dma_wait3A_307 : memref<1x!tpu.dma_semaphore, #tpu.memory_space<semaphore_mem>> -> memref<!tpu.dma_semaphore, #tpu.memory_space<semaphore_mem>>
    %dma_wait3A_309 = arith.constant 0 : i32
    %dma_wait3A_310 = tpu.memref_slice %arg4[%dma_wait3A_298, %mul3A_2, %dma_wait3A_309] : memref<50x16384x32xf32, #tpu.memory_space<hbm>> -> memref<1x512x32xf32, #tpu.memory_space<hbm>>
    %dma_wait3A_311 = tpu.memref_squeeze %dma_wait3A_310 : memref<1x512x32xf32, #tpu.memory_space<hbm>> -> memref<512x32xf32, #tpu.memory_space<hbm>>
    %dma_wait3A_312 = arith.constant 0 : i32
    %dma_wait3A_313 = arith.constant 0 : i32
    %dma_wait3A_314 = tpu.memref_slice %arg6[%dma_wait3A_297, %dma_wait3A_312, %dma_wait3A_313] : memref<5x512x32xf32, #tpu.memory_space<vmem>> -> memref<1x512x32xf32, #tpu.memory_space<vmem>>
    %dma_wait3A_315 = tpu.memref_squeeze %dma_wait3A_314 : memref<1x512x32xf32, #tpu.memory_space<vmem>> -> memref<512x32xf32, #tpu.memory_space<vmem>>
    tpu.wait_dma2 semaphore(%dma_wait3A_308 : memref<!tpu.dma_semaphore, #tpu.memory_space<semaphore_mem>>) src(%dma_wait3A_315 : memref<512x32xf32, #tpu.memory_space<vmem>>) dst(%dma_wait3A_311 : memref<512x32xf32, #tpu.memory_space<hbm>>)
    %dma_wait3A_316 = arith.constant 3 : i32
    %dma_wait3A_317 = arith.constant 0 : i32
    %dma_wait3A_318 = arith.constant 3 : i32
    %dma_wait3A_319 = arith.constant 0 : i32
    %dma_wait3A_320 = arith.constant 0 : i32
    %dma_wait3A_321 = tpu.memref_slice %arg6[%dma_wait3A_316, %dma_wait3A_319, %dma_wait3A_320] : memref<5x512x32xf32, #tpu.memory_space<vmem>> -> memref<1x512x32xf32, #tpu.memory_space<vmem>>
    %dma_wait3A_322 = tpu.memref_squeeze %dma_wait3A_321 : memref<1x512x32xf32, #tpu.memory_space<vmem>> -> memref<512x32xf32, #tpu.memory_space<vmem>>
    %dma_wait3A_323 = arith.constant 0 : i32
    %dma_wait3A_324 = tpu.memref_slice %arg4[%dma_wait3A_317, %mul3A_2, %dma_wait3A_323] : memref<50x16384x32xf32, #tpu.memory_space<hbm>> -> memref<1x512x32xf32, #tpu.memory_space<hbm>>
    %dma_wait3A_325 = tpu.memref_squeeze %dma_wait3A_324 : memref<1x512x32xf32, #tpu.memory_space<hbm>> -> memref<512x32xf32, #tpu.memory_space<hbm>>
    %dma_wait3A_326 = tpu.memref_slice %arg9[%dma_wait3A_318] : memref<5x!tpu.dma_semaphore, #tpu.memory_space<semaphore_mem>> -> memref<1x!tpu.dma_semaphore, #tpu.memory_space<semaphore_mem>>
    %dma_wait3A_327 = tpu.memref_squeeze %dma_wait3A_326 : memref<1x!tpu.dma_semaphore, #tpu.memory_space<semaphore_mem>> -> memref<!tpu.dma_semaphore, #tpu.memory_space<semaphore_mem>>
    %dma_wait3A_328 = arith.constant 0 : i32
    %dma_wait3A_329 = tpu.memref_slice %arg4[%dma_wait3A_317, %mul3A_2, %dma_wait3A_328] : memref<50x16384x32xf32, #tpu.memory_space<hbm>> -> memref<1x512x32xf32, #tpu.memory_space<hbm>>
    %dma_wait3A_330 = tpu.memref_squeeze %dma_wait3A_329 : memref<1x512x32xf32, #tpu.memory_space<hbm>> -> memref<512x32xf32, #tpu.memory_space<hbm>>
    %dma_wait3A_331 = arith.constant 0 : i32
    %dma_wait3A_332 = arith.constant 0 : i32
    %dma_wait3A_333 = tpu.memref_slice %arg6[%dma_wait3A_316, %dma_wait3A_331, %dma_wait3A_332] : memref<5x512x32xf32, #tpu.memory_space<vmem>> -> memref<1x512x32xf32, #tpu.memory_space<vmem>>
    %dma_wait3A_334 = tpu.memref_squeeze %dma_wait3A_333 : memref<1x512x32xf32, #tpu.memory_space<vmem>> -> memref<512x32xf32, #tpu.memory_space<vmem>>
    tpu.wait_dma2 semaphore(%dma_wait3A_327 : memref<!tpu.dma_semaphore, #tpu.memory_space<semaphore_mem>>) src(%dma_wait3A_334 : memref<512x32xf32, #tpu.memory_space<vmem>>) dst(%dma_wait3A_330 : memref<512x32xf32, #tpu.memory_space<hbm>>)
    %dma_wait3A_335 = arith.constant 4 : i32
    %dma_wait3A_336 = arith.constant 0 : i32
    %dma_wait3A_337 = arith.constant 4 : i32
    %dma_wait3A_338 = arith.constant 0 : i32
    %dma_wait3A_339 = arith.constant 0 : i32
    %dma_wait3A_340 = tpu.memref_slice %arg6[%dma_wait3A_335, %dma_wait3A_338, %dma_wait3A_339] : memref<5x512x32xf32, #tpu.memory_space<vmem>> -> memref<1x512x32xf32, #tpu.memory_space<vmem>>
    %dma_wait3A_341 = tpu.memref_squeeze %dma_wait3A_340 : memref<1x512x32xf32, #tpu.memory_space<vmem>> -> memref<512x32xf32, #tpu.memory_space<vmem>>
    %dma_wait3A_342 = arith.constant 0 : i32
    %dma_wait3A_343 = tpu.memref_slice %arg4[%dma_wait3A_336, %mul3A_2, %dma_wait3A_342] : memref<50x16384x32xf32, #tpu.memory_space<hbm>> -> memref<1x512x32xf32, #tpu.memory_space<hbm>>
    %dma_wait3A_344 = tpu.memref_squeeze %dma_wait3A_343 : memref<1x512x32xf32, #tpu.memory_space<hbm>> -> memref<512x32xf32, #tpu.memory_space<hbm>>
    %dma_wait3A_345 = tpu.memref_slice %arg9[%dma_wait3A_337] : memref<5x!tpu.dma_semaphore, #tpu.memory_space<semaphore_mem>> -> memref<1x!tpu.dma_semaphore, #tpu.memory_space<semaphore_mem>>
    %dma_wait3A_346 = tpu.memref_squeeze %dma_wait3A_345 : memref<1x!tpu.dma_semaphore, #tpu.memory_space<semaphore_mem>> -> memref<!tpu.dma_semaphore, #tpu.memory_space<semaphore_mem>>
    %dma_wait3A_347 = arith.constant 0 : i32
    %dma_wait3A_348 = tpu.memref_slice %arg4[%dma_wait3A_336, %mul3A_2, %dma_wait3A_347] : memref<50x16384x32xf32, #tpu.memory_space<hbm>> -> memref<1x512x32xf32, #tpu.memory_space<hbm>>
    %dma_wait3A_349 = tpu.memref_squeeze %dma_wait3A_348 : memref<1x512x32xf32, #tpu.memory_space<hbm>> -> memref<512x32xf32, #tpu.memory_space<hbm>>
    %dma_wait3A_350 = arith.constant 0 : i32
    %dma_wait3A_351 = arith.constant 0 : i32
    %dma_wait3A_352 = tpu.memref_slice %arg6[%dma_wait3A_335, %dma_wait3A_350, %dma_wait3A_351] : memref<5x512x32xf32, #tpu.memory_space<vmem>> -> memref<1x512x32xf32, #tpu.memory_space<vmem>>
    %dma_wait3A_353 = tpu.memref_squeeze %dma_wait3A_352 : memref<1x512x32xf32, #tpu.memory_space<vmem>> -> memref<512x32xf32, #tpu.memory_space<vmem>>
    tpu.wait_dma2 semaphore(%dma_wait3A_346 : memref<!tpu.dma_semaphore, #tpu.memory_space<semaphore_mem>>) src(%dma_wait3A_353 : memref<512x32xf32, #tpu.memory_space<vmem>>) dst(%dma_wait3A_349 : memref<512x32xf32, #tpu.memory_space<hbm>>)
    return
  }
}

</mosaic_0001>

<sc_bundles>
// kernel: _sc_gather.3.cloned.1.call-start
scs
__scs_entry_jumppad:
0x0: {  	(pc) =	sbr.rel $0x88, $3  }
0x1: {  	(tag) =	ssettag $0x0;
	lr =	simm.s32 $0x1  }
0x2: {  	[smem:$0x3F9F] =	sst lr;
	_ =	strace $0xD0000000  }
0x3: {  	_ = 	snop  }
0x4: {  	_ = 	snop  }
0x5: {  	_ = 	snop  }
0x6: {  	_ = 	snop  }
0x7: {  	_ = 	snop  }
__scs_overlays_trampoline_lowered:
0x8: {  	[smem:$0x3FAE] =	sst s0  }
0x9: {  	[smem:$0x3FAF] =	sst s1  }
0xa: {  	[smem:$0x3FB0] =	sst s2  }
0xb: {  	[smem:$0x3FB1] =	sst s3  }
0xc: {  	[smem:$0x3FB2] =	sst s4  }
0xd: {  	[smem:$0x3FB3] =	sst s5  }
0xe: {  	[smem:$0x3FB4] =	sst s6  }
0xf: {  	[smem:$0x3FB5] =	sst s7  }
0x10: {  	[smem:$0x3FB6] =	sst s8  }
0x11: {  	[smem:$0x3FB7] =	sst s9;
	s0 =	simm.s32 @!p0 $0x0  }
0x12: {  	s1 =	sld [smem:$0x3F9D];
	s0 =	simm.s32 @p0 $0x1  }
0x13: {  	[smem:$0x3FB8] =	sst s0;
	s0 =	simm.s32 @!p1 $0x0  }
0x14: {  	s2 =	sld [smem:$0x3F9C];
	s0 =	simm.s32 @p1 $0x1  }
0x15: {  	[smem:$0x3FB9] =	sst s0;
	s0 =	simm.s32 @!p2 $0x0  }
0x16: {  	s3 =	sld [smem:$0x3FDB];
	s0 =	simm.s32 @p2 $0x1  }
0x17: {  	s4 =	simm.s32 $0x1BF5;
	[smem:$0x3FBB] =	sst s0  }
0x18: {  	s0 =	sld [smem:$0x3F9E];
	_ =	swait.ge [sflag:s4], $0x0  }
0x19: {  	s7 =	sld [smem:$0x3F9F]  }
0x1a: {  	s8 =	sadd.s32 $0xFFFFE003, lr  }
0x1b: {  	s9 =	sadd.s32 $0xFFFFFEF7, lr;
	s5 =	simm.s32 $0xFFFFFFFF;
	p2 =	slt.u32 s8, $0xFFFFF086  }
0x1c: {  	p1 =	slt.u32 s9, $0xF7A;
	s5 =	simm.s32 @!p2 $0x0  }
0x1d: {  	s5 =	simm.s32 @p1 $0x1;
	p0 =	seq.s32 s7, s2  }
0x1e: {  	s7 =	smul.u32 @!p0 $0xF7A, s2;
	p2 =	seq.s32 @!p0 s5, $0x0  }
0x1f: {  	s9 =	smul.u32 $0xF7A, s1;
	s8 =	simm.s32 @!p0 $0x1BF5;
	p2 =	por !p2, p0  }
0x20: {  	[sflag:s8] =	ssyncset.s32 @!p0 $0xFFFFF086;
	s6 =	sadd.s32 @!p0 s3, s7;
	s7 =	simm.s32 @!p0 $0x108  }
0x21: {  	s3 =	sadd.s32 s3, s9;
	s6 =	sadd.s32 @!p0 $0x88, s6;
	s7 =	simm.s32 @p2 $0x1082  }
0x22: {  	[simem:s7], [sflag:s8] =	dma.local @!p0 [hbm:s6], $0xF7A  }
0x23: {  	s9 =	sor.u32 $0xD0000000, s2;
	s6 =	simm.s32 $0x108;
	_ =	swait.ge @!p0 [sflag:s8], $0x0  }
0x24: {  	s3 =	sadd.s32 $0x88, s3;
	s6 =	simm.s32 @!p1 $0x1082;
	[sflag:s4] =	ssyncset.s32 $0xFFFFF086  }
0x25: {  	[simem:s6], [sflag:s4] =	dma.local [hbm:s3], $0xF7A  }
0x26: {  	[smem:$0x3F9F] =	sst s1;
	(tag) =	ssettag s2;
	_ =	strace s9  }
0x27: {  	s1 =	sld [smem:$0x3FAF]  }
0x28: {  	s2 =	sld [smem:$0x3FB0]  }
0x29: {  	s4 =	sld [smem:$0x3FB2]  }
0x2a: {  	p0 =	seq.s32 s5, $0x0;
	s5 =	sld [smem:$0x3FB3]  }
0x2b: {  	s6 =	sld [smem:$0x3FB4]  }
0x2c: {  	s7 =	sld [smem:$0x3FB5]  }
0x2d: {  	s3 =	simm.s32 $0x108;
	s8 =	sld [smem:$0x3FB6]  }
0x2e: {  	s3 =	simm.s32 @!p0 $0x1082;
	s9 =	sld [smem:$0x3FB7]  }
0x2f: {  	lr =	sadd.s32 s0, s3;
	s0 =	sld [smem:$0x3FAE]  }
0x30: {  	s3 =	sld [smem:$0x3FB1]  }
0x31: {  	[smem:$0x3FBA] =	sst s10  }
0x32: {  	s10 =	sld [smem:$0x3FB8];
	_ =	sdelay $0x3  }
0x33: {  	p0 =	seq.s32 s10, $0x1;
	s10 =	sld [smem:$0x3FBA];
	_ =	sdelay $0x3  }
0x34: {  	[smem:$0x3FBA] =	sst s10  }
0x35: {  	s10 =	sld [smem:$0x3FB9];
	_ =	sdelay $0x3  }
0x36: {  	p1 =	seq.s32 s10, $0x1;
	s10 =	sld [smem:$0x3FBA];
	_ =	sdelay $0x3  }
0x37: {  	[smem:$0x3FBA] =	sst s10  }
0x38: {  	s10 =	sld [smem:$0x3FBB]  }
0x39: {  	_ = 	snop;
	(pc) =	sbr.ind lr, $3  }
0x3a: {  	_ = 	snop  }
0x3b: {  	_ = 	snop  }
0x3c: {  	p2 =	seq.s32 s10, $0x1;
	s10 =	sld [smem:$0x3FBA]  }
0x3d: {  	_ =	shalt  }
0x3e: {  	_ =	shalt  }
0x3f: {  	_ =	shalt  }
0x40: {  	_ =	shalt  }
0x41: {  	_ =	shalt  }
0x42: {  	_ =	shalt  }
0x43: {  	_ =	shalt  }
0x44: {  	_ =	shalt  }
0x45: {  	_ =	shalt  }
0x46: {  	_ =	shalt  }
0x47: {  	_ =	shalt  }
0x48: {  	_ =	shalt  }
0x49: {  	_ =	shalt  }
0x4a: {  	_ =	shalt  }
0x4b: {  	_ =	shalt  }
0x4c: {  	_ =	shalt  }
0x4d: {  	_ =	shalt  }
0x4e: {  	_ =	shalt  }
0x4f: {  	_ =	shalt  }
0x50: {  	_ =	shalt  }
0x51: {  	_ =	shalt  }
0x52: {  	_ =	shalt  }
0x53: {  	_ =	shalt  }
0x54: {  	_ =	shalt  }
0x55: {  	_ =	shalt  }
0x56: {  	_ =	shalt  }
0x57: {  	_ =	shalt  }
0x58: {  	_ =	shalt  }
0x59: {  	_ =	shalt  }
0x5a: {  	_ =	shalt  }
0x5b: {  	_ =	shalt  }
0x5c: {  	_ =	shalt  }
0x5d: {  	_ =	shalt  }
0x5e: {  	_ =	shalt  }
0x5f: {  	_ =	shalt  }
0x60: {  	_ =	shalt  }
0x61: {  	_ =	shalt  }
0x62: {  	_ =	shalt  }
0x63: {  	_ =	shalt  }
0x64: {  	_ =	shalt  }
0x65: {  	_ =	shalt  }
0x66: {  	_ =	shalt  }
0x67: {  	_ =	shalt  }
0x68: {  	_ =	shalt  }
0x69: {  	_ =	shalt  }
0x6a: {  	_ =	shalt  }
0x6b: {  	_ =	shalt  }
0x6c: {  	_ =	shalt  }
0x6d: {  	_ =	shalt  }
0x6e: {  	_ =	shalt  }
0x6f: {  	_ =	shalt  }
0x70: {  	_ =	shalt  }
0x71: {  	_ =	shalt  }
0x72: {  	_ =	shalt  }
0x73: {  	_ =	shalt  }
0x74: {  	_ =	shalt  }
0x75: {  	_ =	shalt  }
0x76: {  	_ =	shalt  }
0x77: {  	_ =	shalt  }
0x78: {  	_ =	shalt  }
0x79: {  	_ =	shalt  }
0x7a: {  	_ =	shalt  }
0x7b: {  	_ =	shalt  }
0x7c: {  	_ =	shalt  }
0x7d: {  	_ =	shalt  }
0x7e: {  	_ =	shalt  }
0x7f: {  	_ =	shalt  }
0x80: {  	_ =	shalt  }
0x81: {  	_ =	shalt  }
0x82: {  	_ =	shalt  }
0x83: {  	_ =	shalt  }
0x84: {  	_ =	shalt  }
0x85: {  	_ =	shalt  }
0x86: {  	_ =	shalt  }
0x87: {  	_ =	shalt  }
.Lfunc_end0:
.L_simem_size_0:
called_computation.1_lowered:
.L_overlay_start_0:
0x88: {  	s2 =	sld [smem:$0x3FD9]  }
0x89: {  	s3 =	sld [smem:$0x3FFE];
	_ =	sdelay $0x1  }
0x8a: {  	s1 =	srdreg.scid  }
0x8b: {  	s0 =	sand.u32 $0x1, s1  }
0x8c: {  	s17 =	sshll.u32 s0, $0xA;
	s2 =	sadd.s32 s3, s2  }
0x8d: {  	s2 =	sadd.s32 s2, s17  }
0x8e: {  	[smem:$0x3FC6] =	sst s2  }
0x8f: {  	_ = 	snop  }
0x90: {  	s2 =	sld [smem:$0x3FD0];
	(tm) =	ssettm $0x1  }
0x91: {  	s18 =	sld [smem:$0x3FFB];
	_ =	sdelay $0x3  }
0x92: {  	_ =	strace s18  }
0x93: {  	s3 =	sld [smem:$0x3FFC];
	_ =	sdelay $0x3  }
0x94: {  	_ =	strace s3  }
0x95: {  	s3 =	sld [smem:$0x3FFD];
	_ =	sdelay $0x3  }
0x96: {  	_ =	strace s3  }
0x97: {  	_ =	strace $0x8FFFFFFF  }
0x98: {  	s19 =	sld [smem:$0x3FDB];
	_ =	sdelay $0x1  }
0x99: {  	s4 =	simm.s32 $_scs_section_size  }
0x9a: {  	s5 =	simm.s32 $_size__tile_overlayer_lowered;
	s6 =	simm.s32 $_tile_overlayer_lowered  }
0x9b: {  	s22 =	simm.s32 $0x1BFF;
	s21 =	sshll.u32 s6, $0x1;
	s3 =	sadd.s32 s4, s19  }
0x9c: {  	s7 =	simm.s32 $0x0;
	s20 =	sshll.u32 s5, $0x1;
	s5 =	sadd.s32 s21, s3  }
0x9d: {  	[timem:s7], [sflag:s22] =	dma.local [hbm:s5], s20  }
0x9e: {  	_ =	swait.ge [sflag:s22], s20  }
0x9f: {  	s4 =	ssub.s32 $0x0, s20;
	[sflag:s22] =	ssyncset.done $0x0  }
0xa0: {  	[sflag:s22] =	ssyncadd.s32 s4;
	_ =	sdelay $0x1  }
0xa1: {  	s23 =	simm.s32 $0x1B8B  }
0xa2: {  	_ =	swait.ge [sflag:s23], $0x1  }
0xa3: {  	[sflag:s23] =	ssyncset.done $0x0  }
0xa4: {  	s25 =	simm.s32 $0x1B8E;
	s24 =	sld [smem:$0x3FFE];
	[sflag:s23] =	ssyncadd.s32 $0xFFFFFFFF  }
0xa5: {  	s26 =	simm.s32 $execute0_lowered;
	[smem:$0x3FD2] =	sst s25  }
0xa6: {  	s5 =	sshll.u32 s26, $0x1;
	_ =	strace $0x80000046;
	[dreg:$0x1] =	wrdreg $0xFFFFFFFF  }
0xa7: {  	s28 =	simm.s32 $_size_execute0_lowered;
	s3 =	sadd.s32 s3, s5;
	[dreg:$0x0] =	wrdreg $0x0  }
0xa8: {  	s5 =	sshll.u32 s28, $0x1;
	[dreg:$0x2] =	wrdreg s3  }
0xa9: {  	[dreg:$0x3] =	wrdreg s5  }
0xaa: {  	[dreg:$0x4] =	wrdreg $0xC0  }
0xab: {  	_ =	task [dreg:s7], $0x5FFFF  }
0xac: {  	[dreg:$0x1] =	wrdreg $0xFFFFFFFF  }
0xad: {  	[dreg:$0x0] =	wrdreg $0x60  }
0xae: {  	[dreg:$0x2] =	wrdreg s24  }
0xaf: {  	[dreg:$0x3] =	wrdreg s2  }
0xb0: {  	[dreg:$0x4] =	wrdreg $0x9  }
0xb1: {  	_ =	task.clear_ibuf [dreg:s7], $0x5FFFF;
	_ =	strace $0x90000046  }
0xb2: {  	s29 =	simm.s32 $0x9;
	_ =	strace $0x80000048  }
0xb3: {  	_ =	swait.ge [sflag:s29], $0x1  }
0xb4: {  	[sflag:s29] =	ssyncadd.s32 $0xFFFFFFFF  }
0xb5: {  	_ =	strace $0x90000048  }
0xb6: {  	_ =	sfence  }
0xb7: {  	s30 =	sld [smem:$0x0];
	_ =	sdelay $0x2  }
0xb8: {  	s31 =	sshll.u32 s1, $0xD;
	s1 =	sshrl.u32 s1, $0x2  }
0xb9: {  	s3 =	sand.u32 $0x4000, s31;
	s1 =	sadd.s32 s1, s30  }
0xba: {  	s0 =	sor.u32 s3, s0;
	s1 =	sshll.u32 s1, $0x11  }
0xbb: {  	s0 =	sor.u32 s1, s0  }
0xbc: {  	s0 =	sadd.s32 $0x8F2B, s0  }
0xbd: {  	[sflag:s0] =	ssyncadd.remote.s32 $0x1  }
0xbe: {  	_ =	sfence.sel $0xFFFF  }
0xbf: {  	[dreg:$0x0] =	wrdreg $0xFFFFFFFF;
	(pc) =	sbr.abs _section_cstart, $3  }
0xc0: {  	[dreg:$0x1] =	wrdreg $0xFFFFFFFF  }
0xc1: {  	_ =	task.clear_ibuf [dreg:s7], $0x2FFFF;
	_ =	strace $0x9FFFFFFF  }
0xc2: {  	(tm) =	ssettm $0x7FFFFFFF  }
0xc3: {  	_ =	shalt  }
tec
execute0_lowered:
.L_overlay_start_1:
0x0: {  	(tag) =	ssettag $0x1  }
0x1: {  	s0 =	rddreg [dreg:$0x0]  }
0x2: {  	s2 =	rddreg [dreg:$0x1]  }
0x3: {  	s1 =	srdreg.scid;
	s3 =	simm.s32 $0x0;
	s9 =	stileid.u32  }
0x4: {  	s28 =	simm.s32 $0x12400;
	s29 =	simm.s32 $0x4;
	s31 =	simm.s32 $0x16400  }
0x5: {  	s30 =	simm.s32 $0xA;
	s1 =	sand.u32 $0x1, s1;
	[smem:$0x7FF] =	sst s3  }
0x6: {  	s4 =	sshll.u32 s9, $0xA;
	s14 =	sshll.u32 s9, $0xF;
	s5 =	sshll.u32 s1, $0x9  }
0x7: {  	_ =	strace $0x80000047;
	s6 =	ssub.s32 $0x2, s1;
	s1 =	sshll.u32 s1, $0xE  }
0x8: {  	s5 =	sor.u32 s5, s4;
	s4 =	sadd.s32 $0x3D09A00, s0;
	s8 =	sshrl.u32 s6, $0x1  }
0x9: {  	s16 =	sor.u32 s1, s14;
	s7 =	sshrl.u32 s5, $0x3;
	s6 =	ssub.s32 s6, s8  }
0xa: {  	s5 =	sshll.u32 s5, $0x2;
	s19 =	sor.u32 $0x200000, s16;
	s22 =	sor.u32 $0x400000, s16  }
0xb: {  	s23 =	sor.u32 $0x380000, s16;
	s24 =	sor.u32 $0x300000, s16;
	s16 =	sor.u32 $0x280000, s16  }
0xc: {  	s0 =	sadd.s32 s7, s0;
	s13 =	sadd.s32 s2, s5;
	s21 =	smax.u32 s6, $0x1  }
0xd: {  	s1 =	sshrl.u32 s19, $0x3;
	s5 =	sshrl.u32 s23, $0x3;
	[dreg:$0x3] =	wrdreg s13  }
0xe: {  	s26 =	sshrl.u32 s24, $0x3;
	s0 =	sadd.s32 $0xA00, s0;
	[dreg:$0x9] =	wrdreg s21  }
0xf: {  	s24 =	simm.s32 $0xE400;
	s15 =	sadd.s32 $0x10000, s13;
	[dreg:$0x4] =	wrdreg s0  }
0x10: {  	s23 =	simm.s32 $0x8;
	s17 =	sadd.s32 $0x20000, s13;
	[dreg:$0x5] =	wrdreg s15  }
0x11: {  	s6 =	simm.s32 $0xB;
	s18 =	sadd.s32 $0x30000, s13;
	[dreg:$0x6] =	wrdreg s17  }
0x12: {  	s7 =	simm.s32 $0x0;
	s20 =	sadd.s32 $0x310000, s13;
	[dreg:$0x7] =	wrdreg s18  }
0x13: {  	s1 =	sadd.s32 s1, s2;
	s25 =	sadd.s32 s5, s2;
	[dreg:$0x8] =	wrdreg s20  }
0x14: {  	s21 =	simm.s32 $0xA400;
	[dreg:$0xa] =	wrdreg s1;
	s1 =	sshrl.u32 s22, $0x3  }
0x15: {  	[dreg:$0xc] =	wrdreg s25;
	s15 =	sadd.s32 s26, s2;
	s17 =	simm.s32 $0x200  }
0x16: {  	s20 =	simm.s32 $0x6400;
	s22 =	simm.s32 $0x2;
	s25 =	simm.s32 $0x3  }
0x17: {  	s0 =	simm.s32 $0x5;
	s18 =	simm.s32 $0x6;
	s1 =	sadd.s32 s1, s2  }
0x18: {  	s26 =	simm.s32 $0x9;
	[dreg:$0xb] =	wrdreg s1;
	s1 =	simm.s32 $0x7  }
.LBB2_1:
0x19: {  	s5 =	rddreg [dreg:$0x4];
	s8 =	simm.s32 $0x4000;
	s9 =	simm.s32 $0x1  }
0x1a: {  	[tilespmem:s3], [sflag:$0x1] =	stream.strided.gather [hbm4b:s5+s17], $0x6400, s8, s17, $0x38;
	[tilespmem:$0x1A400] =	vst v63  }
0x1b: {  	_ =	swait.ge [sflag:s9], $0x6400  }
0x1c: {  	[sflag:s9] =	ssyncset.done $0x0  }
0x1d: {  	[sflag:s9] =	ssyncadd.s32 $0xFFFF9C00  }
0x1e: {  	[tilespmem:s20], [sflag:$0x2] =	stream.indirect.gather [hbm4b:s4+s17], $0x20, s3, s17, $0xb8;
	[tilespmem:$0x1A400] =	vst v63  }
0x1f: {  	_ = 	snop  }
0x20: {  	[tilespmem:s21], [sflag:$0x3] =	stream.indirect.gather [hbm4b:s4+s17], $0x20, s17, s17, $0xb8;
	[tilespmem:$0x1A400] =	vst v63  }
0x21: {  	_ =	swait.ge [sflag:s22], $0x4000  }
0x22: {  	[sflag:s22] =	ssyncset.done $0x0  }
0x23: {  	s10 =	rddreg [dreg:$0x3];
	[sflag:s22] =	ssyncadd.s32 $0xFFFFC000  }
0x24: {  	[hbm4b:s10+s3] =	stream.linear.scatter [tilespmem:s20], [sflag:$0x7], $0x4000, $0x38;
	[tilespmem:$0x1A400] =	vst v63  }
0x25: {  	s11 =	simm.s32 $0x400  }
0x26: {  	[tilespmem:s24], [sflag:$0x4] =	stream.indirect.gather [hbm4b:s4+s17], $0x20, s11, s17, $0xb8;
	[tilespmem:$0x1A400] =	vst v63  }
0x27: {  	_ =	swait.ge [sflag:s25], $0x4000  }
0x28: {  	[sflag:s25] =	ssyncset.done $0x0  }
0x29: {  	s12 =	rddreg [dreg:$0x5];
	[sflag:s25] =	ssyncadd.s32 $0xFFFFC000  }
0x2a: {  	[hbm4b:s12+s3] =	stream.linear.scatter [tilespmem:s21], [sflag:$0x8], $0x4000, $0x38;
	[tilespmem:$0x1A400] =	vst v63  }
0x2b: {  	s13 =	simm.s32 $0x600  }
0x2c: {  	[tilespmem:s28], [sflag:$0x5] =	stream.indirect.gather [hbm4b:s4+s17], $0x20, s13, s17, $0xb8;
	[tilespmem:$0x1A400] =	vst v63  }
0x2d: {  	_ =	swait.ge [sflag:s29], $0x4000  }
0x2e: {  	[sflag:s29] =	ssyncset.done $0x0  }
0x2f: {  	s14 =	rddreg [dreg:$0x6];
	[sflag:s29] =	ssyncadd.s32 $0xFFFFC000  }
0x30: {  	[hbm4b:s14+s3] =	stream.linear.scatter [tilespmem:s24], [sflag:$0x9], $0x4000, $0x38;
	[tilespmem:$0x1A400] =	vst v63  }
0x31: {  	s19 =	simm.s32 $0x800  }
0x32: {  	[tilespmem:s31], [sflag:$0x6] =	stream.indirect.gather [hbm4b:s4+s17], $0x20, s19, s17, $0xb8;
	[tilespmem:$0x1A400] =	vst v63  }
0x33: {  	_ =	swait.ge [sflag:s0], $0x4000  }
0x34: {  	[sflag:s0] =	ssyncset.done $0x0  }
0x35: {  	s8 =	rddreg [dreg:$0x7];
	[sflag:s0] =	ssyncadd.s32 $0xFFFFC000  }
0x36: {  	[hbm4b:s8+s3] =	stream.linear.scatter [tilespmem:s28], [sflag:$0xA], $0x4000, $0x38;
	[tilespmem:$0x1A400] =	vst v63  }
0x37: {  	_ =	swait.ge [sflag:s1], $0x4000  }
0x38: {  	[sflag:s1] =	ssyncset.done $0x0  }
0x39: {  	s9 =	simm.s32 $0xA00;
	[sflag:s1] =	ssyncadd.s32 $0xFFFFC000  }
0x3a: {  	[tilespmem:s20], [sflag:$0x2] =	stream.indirect.gather [hbm4b:s4+s17], $0x20, s9, s17, $0xb8;
	[tilespmem:$0x1A400] =	vst v63  }
0x3b: {  	_ =	swait.ge [sflag:s18], $0x4000  }
0x3c: {  	[sflag:s18] =	ssyncset.done $0x0  }
0x3d: {  	s12 =	rddreg [dreg:$0xa];
	[sflag:s18] =	ssyncadd.s32 $0xFFFFC000  }
0x3e: {  	[hbm4b:s12+s3] =	stream.linear.scatter [tilespmem:s31], [sflag:$0xB], $0x4000, $0x38;
	[tilespmem:$0x1A400] =	vst v63  }
0x3f: {  	_ =	swait.ge [sflag:s23], $0x4000  }
0x40: {  	[sflag:s23] =	ssyncset.done $0x0  }
0x41: {  	s10 =	simm.s32 $0xC00;
	[sflag:s23] =	ssyncadd.s32 $0xFFFFC000  }
0x42: {  	[tilespmem:s21], [sflag:$0x3] =	stream.indirect.gather [hbm4b:s4+s17], $0x20, s10, s17, $0xb8;
	[tilespmem:$0x1A400] =	vst v63  }
0x43: {  	_ =	swait.ge [sflag:s22], $0x4000  }
0x44: {  	s11 =	sshrl.u32 s16, $0x3;
	[sflag:s22] =	ssyncset.done $0x0  }
0x45: {  	s5 =	sadd.s32 s2, s11;
	[sflag:s22] =	ssyncadd.s32 $0xFFFFC000  }
0x46: {  	[hbm4b:s5+s3] =	stream.linear.scatter [tilespmem:s20], [sflag:$0x7], $0x4000, $0x38;
	[tilespmem:$0x1A400] =	vst v63  }
0x47: {  	_ =	swait.ge [sflag:s26], $0x4000  }
0x48: {  	[sflag:s26] =	ssyncset.done $0x0  }
0x49: {  	s13 =	simm.s32 $0xE00;
	[sflag:s26] =	ssyncadd.s32 $0xFFFFC000  }
0x4a: {  	[tilespmem:s24], [sflag:$0x4] =	stream.indirect.gather [hbm4b:s4+s17], $0x20, s13, s17, $0xb8;
	[tilespmem:$0x1A400] =	vst v63  }
0x4b: {  	_ =	swait.ge [sflag:s25], $0x4000  }
0x4c: {  	[sflag:s25] =	ssyncset.done $0x0  }
0x4d: {  	[sflag:s25] =	ssyncadd.s32 $0xFFFFC000  }
0x4e: {  	[hbm4b:s15+s3] =	stream.linear.scatter [tilespmem:s21], [sflag:$0x8], $0x4000, $0x38;
	[tilespmem:$0x1A400] =	vst v63  }
0x4f: {  	_ =	swait.ge [sflag:s30], $0x4000  }
0x50: {  	[sflag:s30] =	ssyncset.done $0x0  }
0x51: {  	s14 =	simm.s32 $0x1000;
	[sflag:s30] =	ssyncadd.s32 $0xFFFFC000  }
0x52: {  	[tilespmem:s28], [sflag:$0x5] =	stream.indirect.gather [hbm4b:s4+s17], $0x20, s14, s17, $0xb8;
	[tilespmem:$0x1A400] =	vst v63  }
0x53: {  	_ =	swait.ge [sflag:s29], $0x4000  }
0x54: {  	[sflag:s29] =	ssyncset.done $0x0  }
0x55: {  	s10 =	rddreg [dreg:$0xc];
	[sflag:s29] =	ssyncadd.s32 $0xFFFFC000  }
0x56: {  	[hbm4b:s10+s3] =	stream.linear.scatter [tilespmem:s24], [sflag:$0x9], $0x4000, $0x38;
	[tilespmem:$0x1A400] =	vst v63  }
0x57: {  	_ =	swait.ge [sflag:s6], $0x4000  }
0x58: {  	[sflag:s6] =	ssyncset.done $0x0  }
0x59: {  	s11 =	sadd.s32 $0x50000, s15;
	s19 =	simm.s32 $0x1200;
	[sflag:s6] =	ssyncadd.s32 $0xFFFFC000  }
0x5a: {  	[tilespmem:s31], [sflag:$0x6] =	stream.indirect.gather [hbm4b:s4+s17], $0x20, s19, s17, $0xb8;
	[tilespmem:$0x1A400] =	vst v63  }
0x5b: {  	s8 =	simm.s32 $0x2800;
	s9 =	sadd.s32 $0x280000, s16;
	_ =	swait.ge [sflag:s0], $0x4000  }
0x5c: {  	s5 =	sadd.s32 $0x50000, s12;
	[sflag:s0] =	ssyncset.done $0x0;
	s13 =	rddreg [dreg:$0xb]  }
0x5d: {  	s10 =	sadd.s32 $0x50000, s10;
	[sflag:s0] =	ssyncadd.s32 $0xFFFFC000;
	s19 =	sadd.s32 $0x50000, s13  }
.LBB2_2:
0x5e: {  	[hbm4b:s13+s3] =	stream.linear.scatter [tilespmem:s28], [sflag:$0xA], $0x4000, $0x38;
	[tilespmem:$0x1A400] =	vst v63  }
0x5f: {  	s14 =	smov.u32 s8;
	s13 =	smov.u32 s19  }
0x60: {  	p0 =	sne.s32 s8, $0x14000;
	s8 =	sadd.s32 $0x2800, s8;
	_ =	swait.ge [sflag:s1], $0x4000  }
0x61: {  	s14 =	sshra.s32 s14, $0x2;
	[sflag:s1] =	ssyncset.done $0x0  }
0x62: {  	s12 =	sadd.s32 $0xA00, s14;
	[sflag:s1] =	ssyncadd.s32 $0xFFFFC000  }
0x63: {  	[tilespmem:s20], [sflag:$0x2] =	stream.indirect.gather [hbm4b:s4+s17], $0x20, s12, s17, $0xb8;
	[tilespmem:$0x1A400] =	vst v63  }
0x64: {  	_ =	swait.ge [sflag:s18], $0x4000  }
0x65: {  	[sflag:s18] =	ssyncset.done $0x0  }
0x66: {  	[sflag:s18] =	ssyncadd.s32 $0xFFFFC000  }
0x67: {  	[hbm4b:s5+s3] =	stream.linear.scatter [tilespmem:s31], [sflag:$0xB], $0x4000, $0x38;
	[tilespmem:$0x1A400] =	vst v63  }
0x68: {  	_ =	swait.ge [sflag:s23], $0x4000  }
0x69: {  	[sflag:s23] =	ssyncset.done $0x0  }
0x6a: {  	s12 =	sadd.s32 $0xC00, s14;
	[sflag:s23] =	ssyncadd.s32 $0xFFFFC000  }
0x6b: {  	[tilespmem:s21], [sflag:$0x3] =	stream.indirect.gather [hbm4b:s4+s17], $0x20, s12, s17, $0xb8;
	[tilespmem:$0x1A400] =	vst v63  }
0x6c: {  	_ =	swait.ge [sflag:s22], $0x4000  }
0x6d: {  	s12 =	sshrl.u32 s9, $0x3;
	[sflag:s22] =	ssyncset.done $0x0  }
0x6e: {  	s12 =	sadd.s32 s2, s12;
	[sflag:s22] =	ssyncadd.s32 $0xFFFFC000  }
0x6f: {  	[hbm4b:s12+s3] =	stream.linear.scatter [tilespmem:s20], [sflag:$0x7], $0x4000, $0x38;
	[tilespmem:$0x1A400] =	vst v63  }
0x70: {  	_ =	swait.ge [sflag:s26], $0x4000  }
0x71: {  	[sflag:s26] =	ssyncset.done $0x0  }
0x72: {  	s12 =	sadd.s32 $0xE00, s14;
	[sflag:s26] =	ssyncadd.s32 $0xFFFFC000  }
0x73: {  	[tilespmem:s24], [sflag:$0x4] =	stream.indirect.gather [hbm4b:s4+s17], $0x20, s12, s17, $0xb8;
	[tilespmem:$0x1A400] =	vst v63  }
0x74: {  	_ =	swait.ge [sflag:s25], $0x4000  }
0x75: {  	[sflag:s25] =	ssyncset.done $0x0  }
0x76: {  	[sflag:s25] =	ssyncadd.s32 $0xFFFFC000  }
0x77: {  	[hbm4b:s11+s3] =	stream.linear.scatter [tilespmem:s21], [sflag:$0x8], $0x4000, $0x38;
	[tilespmem:$0x1A400] =	vst v63  }
0x78: {  	_ =	swait.ge [sflag:s30], $0x4000  }
0x79: {  	[sflag:s30] =	ssyncset.done $0x0  }
0x7a: {  	s12 =	sadd.s32 $0x1000, s14;
	[sflag:s30] =	ssyncadd.s32 $0xFFFFC000  }
0x7b: {  	[tilespmem:s28], [sflag:$0x5] =	stream.indirect.gather [hbm4b:s4+s17], $0x20, s12, s17, $0xb8;
	[tilespmem:$0x1A400] =	vst v63  }
0x7c: {  	_ =	swait.ge [sflag:s29], $0x4000  }
0x7d: {  	[sflag:s29] =	ssyncset.done $0x0  }
0x7e: {  	[sflag:s29] =	ssyncadd.s32 $0xFFFFC000  }
0x7f: {  	[hbm4b:s10+s3] =	stream.linear.scatter [tilespmem:s24], [sflag:$0x9], $0x4000, $0x38;
	[tilespmem:$0x1A400] =	vst v63  }
0x80: {  	_ =	swait.ge [sflag:s6], $0x4000  }
0x81: {  	[sflag:s6] =	ssyncset.done $0x0  }
.Ltmp0:
0x82: {  	s12 =	sadd.s32 $0x1200, s14;
	[sflag:s6] =	ssyncadd.s32 $0xFFFFC000;
	(pc) =	sbr.rel @p0 .LBB2_2-.Ltmp0, $4  }
0x83: {  	[tilespmem:s31], [sflag:$0x6] =	stream.indirect.gather [hbm4b:s4+s17], $0x20, s12, s17, $0xb8;
	[tilespmem:$0x1A400] =	vst v63  }
0x84: {  	s9 =	sadd.s32 $0x280000, s9;
	_ =	swait.ge [sflag:s0], $0x4000  }
0x85: {  	s11 =	sadd.s32 $0x50000, s11;
	s10 =	sadd.s32 $0x50000, s10;
	[sflag:s0] =	ssyncset.done $0x0  }
0x86: {  	s19 =	sadd.s32 $0x50000, s19;
	s5 =	sadd.s32 $0x50000, s5;
	[sflag:s0] =	ssyncadd.s32 $0xFFFFC000  }
0x87: {  	[hbm4b:s13+s3] =	stream.linear.scatter [tilespmem:s28], [sflag:$0xA], $0x4000, $0x38;
	[tilespmem:$0x1A400] =	vst v63  }
0x88: {  	_ =	swait.ge [sflag:s18], $0x4000  }
0x89: {  	[sflag:s18] =	ssyncset.done $0x0  }
0x8a: {  	s5 =	rddreg [dreg:$0x8];
	[sflag:s18] =	ssyncadd.s32 $0xFFFFC000  }
0x8b: {  	[hbm4b:s5+s3] =	stream.linear.scatter [tilespmem:s31], [sflag:$0xB], $0x4000, $0x38;
	[tilespmem:$0x1A400] =	vst v63  }
0x8c: {  	_ =	swait.ge [sflag:s1], $0x4000  }
0x8d: {  	[sflag:s1] =	ssyncset.done $0x0  }
0x8e: {  	[sflag:s1] =	ssyncadd.s32 $0xFFFFC000  }
0x8f: {  	_ =	swait.ge [sflag:s23], $0x4000  }
0x90: {  	[sflag:s23] =	ssyncset.done $0x0  }
0x91: {  	[sflag:s23] =	ssyncadd.s32 $0xFFFFC000  }
0x92: {  	_ =	swait.ge [sflag:s26], $0x4000  }
0x93: {  	[sflag:s26] =	ssyncset.done $0x0  }
0x94: {  	[sflag:s26] =	ssyncadd.s32 $0xFFFFC000  }
0x95: {  	_ =	swait.ge [sflag:s30], $0x4000  }
0x96: {  	[sflag:s30] =	ssyncset.done $0x0  }
0x97: {  	[sflag:s30] =	ssyncadd.s32 $0xFFFFC000  }
0x98: {  	_ =	swait.ge [sflag:s6], $0x4000  }
0x99: {  	s7 =	sadd.s32 $0x1, s7;
	s19 =	rddreg [dreg:$0x9]  }
0x9a: {  	p0 =	sne.s32 s7, s19  }
.Ltmp1:
0x9b: {  	_ = 	snop;
	(pc) =	sbr.rel @p0 .LBB2_1-.Ltmp1, $3  }
0x9c: {  	_ =	sdelay $0x1  }
0x9d: {  	[sflag:s6] =	ssyncset.done $0x0  }
0x9e: {  	[sflag:s6] =	ssyncadd.s32 $0xFFFFC000  }
0x9f: {  	_ =	sfence.sel $0x180000  }
0xa0: {  	[bflag:$0x0] =	sbarrier.arrive $0xFFFF  }
0xa1: {  	_ =	strace $0x90000047  }
0xa2: {  	s0 =	stileid.u32;
	[bflag:$0x2] =	sbarrier.arrive $0xFFFF  }
0xa3: {  	p0 =	sne.s32 s0, $0x0;
	s0 =	rddreg [dreg:$0x2]  }
0xa4: {  	s0 =	sadd.s32 @!p0 $0x100000, s0  }
0xa5: {  	[sflag:s0] =	ssyncadd.tile.s32 @!p0 $0x1;
	_ =	shalt  }
.Lfunc_end2:
_tile_overlayer_lowered:
.L_overlay_start_2:
0xa6: {  	(tag) =	ssettag $0x2  }
0xa7: {  	s0 =	rddreg [dreg:$0x0];
	s2 =	stileid.u32  }
0xa8: {  	s1 =	rddreg [dreg:$0x1];
	p0 =	sne.s32 s2, $0x0  }
0xa9: {  	s3 =	rddreg [dreg:$0x2];
	[bflag:$0x3] =	sbarrier.arrive $0xFFFF;
	s2 =	simm.s32 @!p0 $0x1C0C  }
0xaa: {  	[timem:s3], [sflag:s2] =	dma.local @!p0 [hbm:s0], s1  }
0xab: {  	s0 =	simm.s32 @!p0 $0xC  }
0xac: {  	_ =	swait.ge @!p0 [sflag:s0], s1  }
0xad: {  	s1 =	ssub.s32 @!p0 $0x0, s1;
	[sflag:s0] =	ssyncset.done @!p0 $0x0  }
0xae: {  	[sflag:s0] =	ssyncadd.s32 @!p0 s1  }
0xaf: {  	[bflag:$0x3] =	sbarrier.arrive $0xFFFF  }
0xb0: {  	_ =	shalt  }

// kernel: sparse-core-data-format-call.cloned.1.call-start
scs
called_computation_lowered:
.L_overlay_start_0:
0x0: {  	s2 =	sld [smem:$0x3FD9]  }
0x1: {  	s3 =	sld [smem:$0x3FFE];
	_ =	sdelay $0x1  }
0x2: {  	s1 =	srdreg.scid  }
0x3: {  	s0 =	sand.u32 $0x1, s1  }
0x4: {  	s18 =	sshll.u32 s0, $0xA;
	s2 =	sadd.s32 s3, s2  }
0x5: {  	s2 =	sadd.s32 s2, s18  }
0x6: {  	[smem:$0x3FC6] =	sst s2  }
0x7: {  	_ = 	snop  }
0x8: {  	s2 =	sld [smem:$0x3FD0];
	(tm) =	ssettm $0x1  }
0x9: {  	s19 =	sld [smem:$0x3FFB];
	_ =	sdelay $0x3  }
0xa: {  	_ =	strace s19  }
0xb: {  	s3 =	sld [smem:$0x3FFC];
	_ =	sdelay $0x3  }
0xc: {  	_ =	strace s3  }
0xd: {  	s3 =	sld [smem:$0x3FFD];
	_ =	sdelay $0x3  }
0xe: {  	_ =	strace s3  }
0xf: {  	_ =	strace $0x8FFFFFFF  }
0x10: {  	s20 =	sld [smem:$0x3FDB];
	_ =	sdelay $0x1  }
0x11: {  	s4 =	simm.s32 $_scs_section_size  }
0x12: {  	s5 =	simm.s32 $_size__tile_overlayer_lowered;
	s6 =	simm.s32 $_tile_overlayer_lowered  }
0x13: {  	s23 =	simm.s32 $0x1BFF;
	s22 =	sshll.u32 s6, $0x1;
	s3 =	sadd.s32 s4, s20  }
0x14: {  	s7 =	simm.s32 $0x0;
	s21 =	sshll.u32 s5, $0x1;
	s5 =	sadd.s32 s22, s3  }
0x15: {  	[timem:s7], [sflag:s23] =	dma.local [hbm:s5], s21  }
0x16: {  	_ =	swait.ge [sflag:s23], s21  }
0x17: {  	s4 =	ssub.s32 $0x0, s21;
	[sflag:s23] =	ssyncset.done $0x0  }
0x18: {  	[sflag:s23] =	ssyncadd.s32 s4;
	_ =	sdelay $0x1  }
0x19: {  	s24 =	simm.s32 $0x1B8B  }
0x1a: {  	_ =	swait.ge [sflag:s24], $0x1  }
0x1b: {  	[sflag:s24] =	ssyncset.done $0x0  }
0x1c: {  	s26 =	simm.s32 $0x1B8E;
	s25 =	sld [smem:$0x3FFE];
	[sflag:s24] =	ssyncadd.s32 $0xFFFFFFFF  }
0x1d: {  	s27 =	simm.s32 $execute0_lowered;
	[smem:$0x3FD2] =	sst s26  }
0x1e: {  	s5 =	sshll.u32 s27, $0x1;
	_ =	strace $0x80000049;
	[dreg:$0x1] =	wrdreg $0xFFFFFFFF  }
0x1f: {  	s28 =	simm.s32 $_size_execute0_lowered;
	s3 =	sadd.s32 s3, s5;
	[dreg:$0x0] =	wrdreg $0x0  }
0x20: {  	s5 =	sshll.u32 s28, $0x1;
	[dreg:$0x2] =	wrdreg s3  }
0x21: {  	[dreg:$0x3] =	wrdreg s5  }
0x22: {  	[dreg:$0x4] =	wrdreg $0xC0  }
0x23: {  	_ =	task [dreg:s7], $0x5FFFF  }
0x24: {  	[dreg:$0x1] =	wrdreg $0xFFFFFFFF  }
0x25: {  	[dreg:$0x0] =	wrdreg $0x60  }
0x26: {  	[dreg:$0x2] =	wrdreg s25  }
0x27: {  	[dreg:$0x3] =	wrdreg s2  }
0x28: {  	[dreg:$0x4] =	wrdreg $0x9  }
0x29: {  	_ =	task.clear_ibuf [dreg:s7], $0x5FFFF;
	_ =	strace $0x90000049  }
0x2a: {  	s29 =	simm.s32 $0x9;
	_ =	strace $0x8000004B  }
0x2b: {  	_ =	swait.ge [sflag:s29], $0x1  }
0x2c: {  	[sflag:s29] =	ssyncadd.s32 $0xFFFFFFFF  }
0x2d: {  	_ =	strace $0x9000004B  }
0x2e: {  	_ =	sfence  }
0x2f: {  	s30 =	sld [smem:$0x0];
	_ =	sdelay $0x2  }
0x30: {  	s31 =	sshll.u32 s1, $0xD;
	s1 =	sshrl.u32 s1, $0x2  }
0x31: {  	s3 =	sand.u32 $0x4000, s31;
	s1 =	sadd.s32 s1, s30  }
0x32: {  	s0 =	sor.u32 s3, s0;
	s1 =	sshll.u32 s1, $0x11  }
0x33: {  	s0 =	sor.u32 s1, s0  }
0x34: {  	s0 =	sadd.s32 $0x8F2B, s0  }
0x35: {  	[sflag:s0] =	ssyncadd.remote.s32 $0x1  }
0x36: {  	_ =	sfence.sel $0xFFFF  }
0x37: {  	[dreg:$0x0] =	wrdreg $0xFFFFFFFF;
	(pc) =	sbr.abs _section_cstart, $3  }
0x38: {  	[dreg:$0x1] =	wrdreg $0xFFFFFFFF  }
0x39: {  	_ =	task.clear_ibuf [dreg:s7], $0x2FFFF;
	_ =	strace $0x9FFFFFFF  }
0x3a: {  	(tm) =	ssettm $0x7FFFFFFF  }
0x3b: {  	_ =	shalt  }
tec
execute0_lowered:
.L_overlay_start_1:
0x0: {  	(tag) =	ssettag $0x1  }
0x1: {  	s0 =	srdreg.scid  }
0x2: {  	s1 =	sshll.u32 s0, $0x4  }
0x3: {  	s0 =	stileid.u32;
	s1 =	sand.u32 $0x10, s1  }
0x4: {  	s7 =	rddreg [dreg:$0x0];
	s1 =	sor.u32 s0, s1  }
0x5: {  	s4 =	simm.s32 $0x1;
	s8 =	simm.s32 $0x2;
	s2 =	sshll.u32 s1, $0x7  }
0x6: {  	s13 =	simm.s32 $0x0;
	s9 =	simm.s32 $0x20000;
	s1 =	ssub.s32 $0x4000, s2  }
0x7: {  	s14 =	simm.s32 $0x0;
	s11 =	simm.s32 $0x0;
	s3 =	sand.u32 $0xF80, s1  }
0x8: {  	s12 =	simm.s32 $0x0;
	s5 =	sshrl.u32 s1, $0xC;
	p0 =	sne.s32 s3, $0x0  }
.Ltmp0:
0x9: {  	s1 =	rddreg [dreg:$0x2];
	s4 =	simm.s32 @!p0 $0x0;
	(pc) =	sbr.rel .LBB1_1-.Ltmp0, $4  }
0xa: {  	s6 =	sadd.s32 $0xA00, s7;
	s3 =	rddreg [dreg:$0x1];
	s5 =	sadd.s32 s4, s5  }
0xb: {  	_ =	strace $0x8000004A;
	s4 =	simm.s32 $0x1;
	s5 =	smul.u32 $0x19, s5  }
0xc: {  	s7 =	sadd.s32 $0x40A00, s7;
	s10 =	smov.u32 s2;
	[sflag:s4] =	ssyncpa.u1 $0x0  }
0xd: {  	p0 =	por $0x0, $0x0;
	[sflag:s8] =	ssyncpa.u1 $0x0;
	s8 =	sadd.s32 $0x1, s5  }
.LBB1_7:
0xe: {  	s15 =	sadd.s32 $0x1000, s10  }
0xf: {  	s13 =	sadd.s32 $0x2, s11;
	s17 =	smov.u32 s11;
	p2 =	sgt.s32 s15, $0x3FFF  }
0x10: {  	s17 =	smov.u32 @p2 s13  }
0x11: {  	s15 =	smov.u32 @p2 s2;
	p2 =	sgt.s32 s17, $0x31  }
0x12: {  	s17 =	simm.s32 @p2 $0x0;
	p2 =	sne.s32 s12, s8  }
.Ltmp1:
0x13: {  	p1 =	slt.u32 s12, $0x2;
	(pc) =	sbr.rel @!p2 .LBB1_8-.Ltmp1, $4  }
0x14: {  	s16 =	simm.s32 @!p1 $0x2  }
0x15: {  	s14 =	smov.u32 s11;
	p0 =	por !p0, !p0;
	_ =	swait.ge @!p1 [sflag:s16], $0x2000  }
0x16: {  	s13 =	smov.u32 s10;
	[sflag:s16] =	ssyncset.done @!p1 $0x0;
	s10 =	smov.u32 s15  }
0x17: {  	s12 =	sadd.s32 $0x1, s12;
	[sflag:s16] =	ssyncadd.s32 @!p1 $0xFFFFE000;
	s11 =	smov.u32 s17  }
.LBB1_1:
0x18: {  	p1 =	sge.u32 s12, s5  }
0x19: {  	s15 =	sxor.u32 @!p1 $0xFFFFFFFF, s12;
	s16 =	sshll.u32 @!p1 s11, $0x12  }
0x1a: {  	s17 =	sshll.u32 @!p1 s10, $0x4;
	s19 =	simm.s32 @!p1 $0x20;
	s20 =	simm.s32 @!p1 $0x80  }
0x1b: {  	s15 =	sshll.u32 @!p1 s15, $0xD;
	s17 =	sand.u32 @!p1 $0x3FFF0, s17;
	s18 =	sadd.s32 @!p1 s6, s16  }
0x1c: {  	s16 =	sadd.s32 @!p1 s16, s7;
	s15 =	sand.u32 @!p1 $0x2000, s15;
	s18 =	sadd.s32 @!p1 s17, s18  }
0x1d: {  	[tilespmem:s15], [sflag:$0x1] =	stream.strided.gather @!p1 [hbm4b:s18+s19], $0x1000, s20, s19, $0x38;
	[tilespmem:$0x8080] =	vst v63  }
0x1e: {  	s31 =	sadd.s32 $0xFFFFFFFF, s12;
	s16 =	sadd.s32 @!p1 s17, s16;
	s15 =	sor.u32 @!p1 $0x1000, s15  }
0x1f: {  	[tilespmem:s15], [sflag:$0x1] =	stream.strided.gather @!p1 [hbm4b:s16+s19], $0x1000, s20, s19, $0x38;
	[tilespmem:$0x8080] =	vst v63  }
0x20: {  	p1 =	sge.u32 s31, s5  }
.Ltmp2:
0x21: {  	_ = 	snop;
	(pc) =	sbr.rel @p1 .LBB1_7-.Ltmp2, $1  }
0x22: {  	_ =	sdelay $0x3  }
0x23: {  	s15 =	simm.s32 $0x1;
	s17 =	sand.u32 $0x1, s12  }
0x24: {  	_ =	swait.ge [sflag:s4], $0x2000;
	s15 =	simm.s32 @!p0 $0x0;
	s17 =	smul.u32 $0x8100, s17  }
0x25: {  	p2 =	por $0x1, $0x1;
	[sflag:s4] =	ssyncset.done $0x0;
	s16 =	smul.u32 $0x8100, s15  }
0x26: {  	s18 =	sshll.u32 s15, $0xF;
	[sflag:s4] =	ssyncadd.s32 $0xFFFFE000;
	s30 =	sshrl.u32 s17, $0x2  }
0x27: {  	s31 =	sshrl.u32 s18, $0x2;
	s18 =	simm.s32 $0x0;
	s16 =	sshrl.u32 s16, $0x2  }
0x28: {  	s15 =	sor.u32 $0x4000, s30;
	s17 =	sadd.s32 $0x10, s31;
	s16 =	sor.u32 $0x4000, s16  }
.LBB1_3:
0x29: {  	s19 =	sshll.u32 s18, $0xC  }
0x2a: {  	s19 =	sand.u32 $0x3FFFF000, s19  }
0x2b: {  	s20 =	sadd.s32 s19, s17  }
0x2c: {  	s31 =	smul.u32 $0x4080, s18;
	v1 =	vld [tilespmem:s20+$0x0]  }
0x2d: {  	v0 =	vld [tilespmem:s20+$0xFFFFFFF0]  }
0x2e: {  	s18 =	sshra.s32 s31, $0x2  }
0x2f: {  	s18 =	sadd.s32 s18, s16  }
0x30: {  	s21 =	sadd.s32 $0x0, s18  }
0x31: {  	p1 =	por p2, p2;
	s19 =	simm.s32 $0x4;
	s20 =	sadd.s32 $0x20, s20;
	[tilespmem:s21+$0x810 ss:$0x81] =	vst.msk $0xffff, v1  }
.LBB1_4:
0x32: {  	v1 =	vld [tilespmem:s20+$0x0];
	p2 =	sne.s32 s19, $0x1FC;
	[tilespmem:s21+$0x0 ss:$0x81] =	vst.msk $0xffff, v0;
	s21 =	smov.u32 s19;
	s19 =	sadd.s32 $0x4, s19  }
.Ltmp3:
0x33: {  	v0 =	vld [tilespmem:s20+$0xFFFFFFF0];
	(pc) =	sbr.rel @p2 .LBB1_4-.Ltmp3, $4  }
0x34: {  	_ = 	snop  }
0x35: {  	s21 =	sshra.s32 s21, $0x2  }
0x36: {  	s21 =	sadd.s32 s21, s18  }
0x37: {  	s20 =	sadd.s32 $0x20, s20;
	[tilespmem:s21+$0x810 ss:$0x81] =	vst.msk $0xffff, v1  }
.Ltmp4:
0x38: {  	(pc) =	sbr.rel @p1 .LBB1_3-.Ltmp4, $2  }
0x39: {  	_ =	sdelay $0x2  }
0x3a: {  	[tilespmem:s21+$0x0 ss:$0x81] =	vst.msk $0xffff, v0;
	s18 =	simm.s32 $0x1;
	p2 =	por $0x0, $0x0  }
0x3b: {  	s16 =	sshll.u32 s13, $0x3;
	s17 =	sand.u32 $0x78, s13;
	s14 =	sshll.u32 s14, $0x10  }
.Ltmp5:
0x3c: {  	s30 =	sand.u32 $0xF800, s13;
	s16 =	sand.u32 $0x3C00, s16;
	(pc) =	sbr.rel .LBB1_7-.Ltmp5, $4  }
0x3d: {  	s31 =	sand.u32 $0x7, s13;
	s14 =	sadd.s32 s3, s14;
	s16 =	sor.u32 s17, s16  }
0x3e: {  	s13 =	sshll.u32 s31, $0x12;
	s14 =	sadd.s32 s30, s14;
	s16 =	sshrl.u32 s16, $0x3  }
0x3f: {  	s13 =	sor.u32 $0x400, s13;
	s14 =	sadd.s32 s16, s14  }
0x40: {  	[hbm4b:s14+s13] =	stream.strided.scatter [tilespmem:s15], [sflag:$0x2], $0x2000, s9, s13, $0x20;
	[tilespmem:$0x8080] =	vst v63  }
.LBB1_8:
0x41: {  	_ =	sfence.sel $0x180000  }
0x42: {  	s2 =	simm.s32 $0x1;
	[bflag:$0x0] =	sbarrier.arrive $0xFFFF  }
0x43: {  	s31 =	simm.s32 $0x2;
	[sflag:s2] =	ssyncpa.u1 $0x1  }
0x44: {  	[sflag:s31] =	ssyncpa.u1 $0x1  }
0x45: {  	p0 =	sne.s32 s0, $0x0;
	_ =	strace $0x9000004A  }
0x46: {  	s0 =	sadd.s32 @!p0 $0x100000, s1;
	[bflag:$0x2] =	sbarrier.arrive $0xFFFF  }
0x47: {  	[sflag:s0] =	ssyncadd.tile.s32 @!p0 $0x1;
	_ =	shalt  }
.Lfunc_end1:
_tile_overlayer_lowered:
.L_overlay_start_2:
0x48: {  	(tag) =	ssettag $0x2  }
0x49: {  	s0 =	rddreg [dreg:$0x0];
	s2 =	stileid.u32  }
0x4a: {  	s1 =	rddreg [dreg:$0x1];
	p0 =	sne.s32 s2, $0x0  }
0x4b: {  	s3 =	rddreg [dreg:$0x2];
	[bflag:$0x3] =	sbarrier.arrive $0xFFFF;
	s2 =	simm.s32 @!p0 $0x1C01  }
0x4c: {  	[timem:s3], [sflag:s2] =	dma.local @!p0 [hbm:s0], s1  }
0x4d: {  	s0 =	simm.s32 @!p0 $0x1  }
0x4e: {  	_ =	swait.ge @!p0 [sflag:s0], s1  }
0x4f: {  	s1 =	ssub.s32 @!p0 $0x0, s1;
	[sflag:s0] =	ssyncset.done @!p0 $0x0  }
0x50: {  	[sflag:s0] =	ssyncadd.s32 @!p0 s1  }
0x51: {  	[bflag:$0x3] =	sbarrier.arrive $0xFFFF  }
0x52: {  	_ =	shalt  }

</sc_bundles>
